<compile_context>
chip_gen: v7x
topology: tpu7x:2x2x1
jax: 0.10.2.dev20260603
libtpu: 0.0.44.dev20260713+nightly
codegen_flags: <defaults>
</compile_context>

<pallas_src>
import jax
import jax.numpy as jnp
from jax import lax
from jax.experimental import pallas as pl
from jax.experimental.pallas import tpu as pltpu
from jax.experimental.pallas import tpu_sc as plsc

B = 4096
PAD = 50
EMB = 32
NEG = -1e9

NC = 2
NS = 16
NW = NC * NS

M = B * PAD
MH_W = M // NW
CH = 1600
N_CH = MH_W // CH
SM_W = B // NW



def _sc_gather_body(
    t_hist_item, t_hist_cate, t_uid, t_uage, t_ugen, t_iid, t_icate,
    idx_hist_item, idx_hist_cate, idx_uid, idx_uage, idx_ugen, idx_iid,
    idx_icate,
    o_hist_item, o_hist_cate, o_uid, o_uage, o_ugen, o_iid, o_icate,
    idx2, buf2, idx_sml, buf_sml, ct_sh, gsems, wsems, ssem,
):
  sid = lax.axis_index("s")
  wid = lax.axis_index("c") * NS + sid
  sbase = wid * SM_W

  @pl.when(sid == 0)
  def _():
    pltpu.sync_copy(t_hist_cate, ct_sh)

  pltpu.sync_copy(idx_hist_item.at[wid], idx2.at[0])
  pltpu.sync_copy(idx_hist_cate.at[wid], idx2.at[1])
  plsc.subcore_barrier()

  smalls = ((t_uid, idx_uid, o_uid), (t_uage, idx_uage, o_uage),
            (t_ugen, idx_ugen, o_ugen), (t_iid, idx_iid, o_iid),
            (t_icate, idx_icate, o_icate))
  sm_g = []
  for i, (table, idx_hbm, _) in enumerate(smalls):
    pltpu.sync_copy(idx_hbm.at[pl.ds(sbase, SM_W)], idx_sml.at[i])
    sm_g.append(pltpu.async_copy(table.at[idx_sml.at[i]], buf_sml.at[i], ssem))

  tables = (t_hist_item, ct_sh)
  outs = (o_hist_item, o_hist_cate)
  units = [(t, ch) for t in range(2) for ch in range(N_CH)]
  fires = [None] * len(units)
  wbs = [None] * len(units)

  def fire(u):
    t, ch = units[u]
    b = u % 2
    fires[u] = pltpu.async_copy(
        tables[t].at[idx2.at[t].at[pl.ds(ch * CH, CH)]],
        buf2.at[b], gsems[b])

  def drain_and_writeback(u):
    t, ch = units[u]
    b = u % 2
    fires[u].wait()
    wbs[u] = pltpu.async_copy(
        buf2.at[b], outs[t].at[pl.ds(wid * MH_W + ch * CH, CH)], wsems[b])

  fire(0)
  for u in range(1, len(units)):
    if u >= 2:
      wbs[u - 2].wait()
    fire(u)
    drain_and_writeback(u - 1)
  drain_and_writeback(len(units) - 1)
  wbs[-2].wait()
  wbs[-1].wait()

  for c in sm_g:
    c.wait()
  for i, (_, _, out_hbm) in enumerate(smalls):
    pltpu.sync_copy(buf_sml.at[i], out_hbm.at[pl.ds(sbase, SM_W)])


def _sc_gather(tables, idxs):
  f32 = jnp.float32
  bf16 = jnp.bfloat16
  out_type = [
      jax.ShapeDtypeStruct((M, EMB), bf16),
      jax.ShapeDtypeStruct((M, EMB), bf16),
      jax.ShapeDtypeStruct((B, EMB), f32),
      jax.ShapeDtypeStruct((B, EMB), f32),
      jax.ShapeDtypeStruct((B, EMB), f32),
      jax.ShapeDtypeStruct((B, EMB), f32),
      jax.ShapeDtypeStruct((B, EMB), f32),
  ]
  mesh = plsc.VectorSubcoreMesh(core_axis_name="c", subcore_axis_name="s",
                                num_cores=NC, num_subcores=NS)
  run = pl.kernel(
      _sc_gather_body,
      out_type=out_type,
      mesh=mesh,
      compiler_params=pltpu.CompilerParams(use_tc_tiling_on_sc=False,
                                           disable_bounds_checks=True),
      scratch_types=[
          pltpu.VMEM((2, MH_W), jnp.int32),
          pltpu.VMEM((2, CH, EMB), bf16),
          pltpu.VMEM((5, SM_W), jnp.int32),
          pltpu.VMEM((5, SM_W, EMB), f32),
          pltpu.VMEM_SHARED((1000, EMB), bf16),
          (pltpu.SemaphoreType.DMA, pltpu.SemaphoreType.DMA),
          (pltpu.SemaphoreType.DMA, pltpu.SemaphoreType.DMA),
          pltpu.SemaphoreType.DMA,
      ],
  )
  return run(*tables, *idxs)



BB = 128
MB = BB * PAD


def _tc_body(seq_ref, ki_ref, kc_ref, qi_ref, qc_ref, uid_ref, uage_ref,
             ugen_ref, w0_ref, b0_ref, w1_ref, b1_ref, w2_ref, b2_ref,
             fw0_ref, fb0_ref, fw1_ref, fb1_ref, fw2_ref, fb2_ref,
             fw3_ref, fb3_ref, out_ref):
  f32 = jnp.float32
  qi = qi_ref[...]
  qc = qc_ref[...]
  q = jnp.concatenate([qi, qc], axis=-1)
  w0 = w0_ref[...]
  w0q, w0k, w0d, w0p = (w0[0:64], w0[64:128], w0[128:192], w0[192:256])
  a_row = jnp.dot(q, w0q + w0d, preferred_element_type=f32)

  k3 = jnp.concatenate([ki_ref[...].astype(f32), kc_ref[...].astype(f32)],
                       axis=-1)
  qk3 = q[None, :, :] * k3
  k2 = k3.reshape(MB, 2 * EMB)
  x = jnp.concatenate([k2, qk3.reshape(MB, 2 * EMB)], axis=-1)
  wx = jnp.concatenate([w0k - w0d, w0p], axis=0)
  h = jnp.dot(x, wx, preferred_element_type=f32)
  h += jnp.broadcast_to(a_row[None], (PAD, BB, 80)).reshape(MB, 80)
  h = jnp.maximum(h + b0_ref[...], 0.0)
  h = jnp.maximum(jnp.dot(h, w1_ref[...], preferred_element_type=f32)
                  + b1_ref[...], 0.0)
  s = jnp.dot(h, w2_ref[...], preferred_element_type=f32) + b2_ref[...]
  s3 = s.reshape(PAD, BB, 1)
  pos = lax.broadcasted_iota(jnp.int32, (PAD, BB, 1), 0)
  mask = pos < seq_ref[...].reshape(1, BB, 1)
  s3 = jnp.where(mask, s3, NEG)
  mx = jnp.max(s3, axis=0, keepdims=True)
  e = jnp.exp(s3 - mx)
  att = e / jnp.sum(e, axis=0, keepdims=True)
  seq_emb = jnp.sum(att * k3, axis=0)

  dnn_in = jnp.concatenate(
      [uid_ref[...], uage_ref[...], ugen_ref[...], seq_emb, qi, qc], axis=-1)
  h = jnp.maximum(jnp.dot(dnn_in, fw0_ref[...], preferred_element_type=f32)
                  + fb0_ref[...], 0.0)
  h = jnp.maximum(jnp.dot(h, fw1_ref[...], preferred_element_type=f32)
                  + fb1_ref[...], 0.0)
  h = jnp.maximum(jnp.dot(h, fw2_ref[...], preferred_element_type=f32)
                  + fb2_ref[...], 0.0)
  z = jnp.dot(h, fw3_ref[...], preferred_element_type=f32) + fb3_ref[...]
  out_ref[...] = 1.0 / (1.0 + jnp.exp(-z))


def _tc_dense(seq_len2, k_item, k_cate, q_item, q_cate, u_id, u_age, u_gen,
              att_w0, att_b0, att_w1, att_b1, att_w2, att_b2,
              f_w0, f_b0, f_w1, f_b1, f_w2, f_b2, f_w3, f_b3):
  grid = (B // BB,)
  bcast = lambda i: (0, 0)

  def row_spec(cols):
    return pl.BlockSpec((BB, cols), lambda i: (i, 0))

  in_specs = [
      pl.BlockSpec((BB, 1), lambda i: (i, 0)),
      pl.BlockSpec((PAD, BB, EMB), lambda i: (0, i, 0)),
      pl.BlockSpec((PAD, BB, EMB), lambda i: (0, i, 0)),
      row_spec(EMB), row_spec(EMB),
      row_spec(EMB), row_spec(EMB), row_spec(EMB),
      pl.BlockSpec((256, 80), bcast), pl.BlockSpec((1, 80), bcast),
      pl.BlockSpec((80, 40), bcast), pl.BlockSpec((1, 40), bcast),
      pl.BlockSpec((40, 1), bcast), pl.BlockSpec((1, 1), bcast),
      pl.BlockSpec((224, 256), bcast), pl.BlockSpec((1, 256), bcast),
      pl.BlockSpec((256, 128), bcast), pl.BlockSpec((1, 128), bcast),
      pl.BlockSpec((128, 64), bcast), pl.BlockSpec((1, 64), bcast),
      pl.BlockSpec((64, 1), bcast), pl.BlockSpec((1, 1), bcast),
  ]
  return pl.pallas_call(
      _tc_body,
      grid=grid,
      in_specs=in_specs,
      out_specs=pl.BlockSpec((BB, 1), lambda i: (i, 0)),
      out_shape=jax.ShapeDtypeStruct((B, 1), jnp.float32),
  )(seq_len2, k_item, k_cate, q_item, q_cate, u_id, u_age, u_gen,
    att_w0, att_b0, att_w1, att_b1, att_w2, att_b2,
    f_w0, f_b0, f_w1, f_b1, f_w2, f_b2, f_w3, f_b3)



def kernel(user_id, user_age, user_gender, item_id, cate_id, hist_item_id,
           hist_cate_id, seq_len, W_user_id, W_user_age, W_user_gender,
           W_item_id, W_cate_id, W_hist_item, W_hist_cate,
           att_W0, att_b0, att_W1, att_b1, att_W2, att_b2,
           f_W0, f_b0, f_W1, f_b1, f_W2, f_b2, f_W3, f_b3):
  mask = jnp.arange(PAD, dtype=jnp.int32)[None, :] < seq_len[:, None]
  hi = jnp.where(mask, hist_item_id, 0).astype(jnp.int32)
  hc = jnp.where(mask, hist_cate_id, 0).astype(jnp.int32)
  idx_hist_item = hi.T.reshape(NW, MH_W)
  idx_hist_cate = hc.T.reshape(NW, MH_W)

  tables = (W_hist_item.astype(jnp.bfloat16), W_hist_cate.astype(jnp.bfloat16),
            W_user_id, W_user_age, W_user_gender, W_item_id, W_cate_id)
  idxs = (idx_hist_item, idx_hist_cate, user_id.astype(jnp.int32),
          user_age.astype(jnp.int32), user_gender.astype(jnp.int32),
          item_id.astype(jnp.int32), cate_id.astype(jnp.int32))
  (e_hist_item, e_hist_cate, e_uid, e_uage, e_ugen, e_iid, e_icate) = (
      _sc_gather(tables, idxs))

  k_item = e_hist_item.reshape(PAD, B, EMB)
  k_cate = e_hist_cate.reshape(PAD, B, EMB)
  seq_len2 = seq_len.astype(jnp.int32).reshape(B, 1)

  r1 = lambda a: a.reshape(1, -1)
  return _tc_dense(
      seq_len2, k_item, k_cate, e_iid, e_icate, e_uid, e_uage, e_ugen,
      att_W0, r1(att_b0), att_W1, r1(att_b1), att_W2, r1(att_b2),
      f_W0, r1(f_b0), f_W1, r1(f_b1), f_W2, r1(f_b2), f_W3, r1(f_b3))

# --- scband reference (transcript-rebuilt; emitter-appended) ---
"""Pipeline reference for scband-din-11570641895610 (READ-ONLY COPY).

The authoritative reference and input builder live on the scoring server;
editing this copy changes nothing except your own understanding.
"""

import jax, jax.numpy as jnp
import numpy as np

B = 4096
PAD = 50
EMB = 32
NEG = -1e9


def setup_inputs(seed: int = 0):
    key = jax.random.key(seed)
    def nk(i):
        return jax.random.fold_in(key, i)
    s = 0.05
    inp = {}
    inp["user_id"] = jax.random.randint(nk(0), (B,), 0, 100000)
    inp["user_age"] = jax.random.randint(nk(1), (B,), 0, 100)
    inp["user_gender"] = jax.random.randint(nk(2), (B,), 0, 4)
    inp["item_id"] = jax.random.randint(nk(3), (B,), 0, 100000)
    inp["cate_id"] = jax.random.randint(nk(4), (B,), 0, 1000)
    inp["hist_item_id"] = jax.random.randint(nk(5), (B, PAD), 0, 100000)
    inp["hist_cate_id"] = jax.random.randint(nk(6), (B, PAD), 0, 1000)
    inp["seq_len"] = jax.random.randint(nk(7), (B,), 0, PAD).astype(jnp.int32)
    inp["W_user_id"] = jax.random.normal(nk(10), (100000, EMB)) * s
    inp["W_user_age"] = jax.random.normal(nk(11), (100, EMB)) * s
    inp["W_user_gender"] = jax.random.normal(nk(12), (4, EMB)) * s
    inp["W_item_id"] = jax.random.normal(nk(13), (100000, EMB)) * s
    inp["W_cate_id"] = jax.random.normal(nk(14), (1000, EMB)) * s
    inp["W_hist_item"] = jax.random.normal(nk(15), (100000, EMB)) * s
    inp["W_hist_cate"] = jax.random.normal(nk(16), (1000, EMB)) * s
    att_in = 4 * 2 * EMB  # concat([q, k, q-k, q*k]) -> 256
    inp["att_W0"] = jax.random.normal(nk(20), (att_in, 80)) * s
    inp["att_b0"] = jnp.zeros((80,))
    inp["att_W1"] = jax.random.normal(nk(21), (80, 40)) * s
    inp["att_b1"] = jnp.zeros((40,))
    inp["att_W2"] = jax.random.normal(nk(22), (40, 1)) * s
    inp["att_b2"] = jnp.zeros((1,))
    dnn_in = 3 * EMB + 2 * EMB + 2 * EMB  # user(3 feats) + seq + item(2 feats) = 224
    inp["f_W0"] = jax.random.normal(nk(30), (dnn_in, 256)) * s
    inp["f_b0"] = jnp.zeros((256,))
    inp["f_W1"] = jax.random.normal(nk(31), (256, 128)) * s
    inp["f_b1"] = jnp.zeros((128,))
    inp["f_W2"] = jax.random.normal(nk(32), (128, 64)) * s
    inp["f_b2"] = jnp.zeros((64,))
    inp["f_W3"] = jax.random.normal(nk(33), (64, 1)) * s
    inp["f_b3"] = jnp.zeros((1,))
    return inp


def reference(user_id, user_age, user_gender, item_id, cate_id, hist_item_id, hist_cate_id, seq_len,
              W_user_id, W_user_age, W_user_gender, W_item_id, W_cate_id, W_hist_item, W_hist_cate,
              att_W0, att_b0, att_W1, att_b1, att_W2, att_b2,
              f_W0, f_b0, f_W1, f_b1, f_W2, f_b2, f_W3, f_b3):
    # InputToWideEmb: gather per-feature embeddings -> [B, n_feat, EMB]
    user_emb = jnp.stack([W_user_id[user_id], W_user_age[user_age], W_user_gender[user_gender]], axis=1)
    item_emb = jnp.stack([W_item_id[item_id], W_cate_id[cate_id]], axis=1)
    # query = first din_feat_num (=2) item feature embeddings, reshaped [B,1,din_feat_num*EMB]
    query = item_emb[:, :2, :].reshape(B, 1, 2 * EMB)
    # ragged history: row_lengths -> seq_len; to_tensor(default 0) -> pad ids with 0
    pos = jnp.arange(PAD)[None, :]
    mask = pos < seq_len[:, None]
    hist_item_pad = jnp.where(mask, hist_item_id, 0)
    hist_cate_pad = jnp.where(mask, hist_cate_id, 0)
    keys = jnp.concatenate([W_hist_item[hist_item_pad], W_hist_cate[hist_cate_pad]], axis=-1)  # [B,PAD,2*EMB]
    q = jnp.broadcast_to(query, (B, PAD, 2 * EMB))
    att_in = jnp.concatenate([q, keys, q - keys, q * keys], axis=-1)  # [B,PAD,256]
    h = jax.nn.relu(att_in @ att_W0 + att_b0)
    h = jax.nn.relu(h @ att_W1 + att_b1)
    scores = (h @ att_W2 + att_b2)[..., 0]  # [B,PAD]
    scores = jnp.where(mask, scores, NEG)
    att = jax.nn.softmax(scores, axis=-1)
    seq_emb = jnp.sum(att[:, :, None] * keys, axis=1)  # [B,2*EMB]
    dnn_in = jnp.concatenate([user_emb.reshape(B, -1), seq_emb, item_emb.reshape(B, -1)], axis=-1)
    h = jax.nn.relu(dnn_in @ f_W0 + f_b0)
    h = jax.nn.relu(h @ f_W1 + f_b1)
    h = jax.nn.relu(h @ f_W2 + f_b2)
    pred = jax.nn.sigmoid(h @ f_W3 + f_b3)
    return pred

if __name__ == "__main__":
    import jax
    _d = setup_inputs()
    print(jax.jit(kernel)(*tuple(_d.values())))

</pallas_src>

<mosaic_0001>
#map = affine_map<(d0, d1) -> (0, 0)>
#map1 = affine_map<(d0, d1) -> (0)>
module attributes {stable_mosaic.version = 14 : i64} {
  func.func @_sc_gather_body(%arg0: i32, %arg1: i32, %arg2: memref<100000x32xbf16, #tpu.memory_space<hbm>>, %arg3: memref<1000x32xbf16, #tpu.memory_space<hbm>>, %arg4: memref<100000x32xf32, #tpu.memory_space<hbm>>, %arg5: memref<100x32xf32, #tpu.memory_space<hbm>>, %arg6: memref<4x32xf32, #tpu.memory_space<hbm>>, %arg7: memref<100000x32xf32, #tpu.memory_space<hbm>>, %arg8: memref<1000x32xf32, #tpu.memory_space<hbm>>, %arg9: memref<32x6400xi32, #tpu.memory_space<hbm>>, %arg10: memref<32x6400xi32, #tpu.memory_space<hbm>>, %arg11: memref<4096xi32, #tpu.memory_space<hbm>>, %arg12: memref<4096xi32, #tpu.memory_space<hbm>>, %arg13: memref<4096xi32, #tpu.memory_space<hbm>>, %arg14: memref<4096xi32, #tpu.memory_space<hbm>>, %arg15: memref<4096xi32, #tpu.memory_space<hbm>>, %arg16: memref<204800x32xbf16, #tpu.memory_space<hbm>>, %arg17: memref<204800x32xbf16, #tpu.memory_space<hbm>>, %arg18: memref<4096x32xf32, #tpu.memory_space<hbm>>, %arg19: memref<4096x32xf32, #tpu.memory_space<hbm>>, %arg20: memref<4096x32xf32, #tpu.memory_space<hbm>>, %arg21: memref<4096x32xf32, #tpu.memory_space<hbm>>, %arg22: memref<4096x32xf32, #tpu.memory_space<hbm>>, %arg23: memref<2x6400xi32, #tpu.memory_space<vmem>>, %arg24: memref<2x1600x32xbf16, #tpu.memory_space<vmem>>, %arg25: memref<5x128xi32, #tpu.memory_space<vmem>>, %arg26: memref<5x128x32xf32, #tpu.memory_space<vmem>>, %arg27: memref<1000x32xbf16, #tpu.memory_space<vmem_shared>>, %arg28: memref<!tpu.dma_semaphore, #tpu.memory_space<semaphore_mem>>, %arg29: memref<!tpu.dma_semaphore, #tpu.memory_space<semaphore_mem>>, %arg30: memref<!tpu.dma_semaphore, #tpu.memory_space<semaphore_mem>>, %arg31: memref<!tpu.dma_semaphore, #tpu.memory_space<semaphore_mem>>, %arg32: memref<!tpu.dma_semaphore, #tpu.memory_space<semaphore_mem>>) attributes {dimension_semantics = [#tpu.dimension_semantics<core_parallel>, #tpu.dimension_semantics<subcore_parallel>], iteration_bounds = array<i64: 2, 16>, scalar_prefetch = 0 : i64, scratch_operands = 10 : i64, tpu.core_type = #tpu.core_type<sc_vector_subcore>, window_params = [{transform_indices = #map}, {transform_indices = #map}, {transform_indices = #map}, {transform_indices = #map}, {transform_indices = #map}, {transform_indices = #map}, {transform_indices = #map}, {transform_indices = #map}, {transform_indices = #map}, {transform_indices = #map1}, {transform_indices = #map1}, {transform_indices = #map1}, {transform_indices = #map1}, {transform_indices = #map1}, {transform_indices = #map}, {transform_indices = #map}, {transform_indices = #map}, {transform_indices = #map}, {transform_indices = #map}, {transform_indices = #map}, {transform_indices = #map}]} {
    %mul3A = arith.constant 16 : i32
    %mul3A_0 = arith.muli %arg0, %mul3A : i32
    %add3A = arith.addi %mul3A_0, %arg1 : i32
    %mul3A_1 = arith.constant 128 : i32
    %mul3A_2 = arith.muli %add3A, %mul3A_1 : i32
    %eq3A = arith.constant 0 : i32
    %eq3A_3 = arith.cmpi eq, %arg1, %eq3A : i32
    %convert_element_type3A = arith.extui %eq3A_3 : i1 to i32
    %cond3A = arith.constant 0 : i32
    %cond3A_4 = arith.cmpi ne, %convert_element_type3A, %cond3A : i32
    scf.if %cond3A_4 {
      "tpu.region"() ({
        %run_scoped3A_598 = tpu.sem_alloc : memref<!tpu.dma_semaphore, #tpu.memory_space<semaphore_mem>>
        tpu.enqueue_dma source(%arg3 : memref<1000x32xbf16, #tpu.memory_space<hbm>>) target(%arg27 : memref<1000x32xbf16, #tpu.memory_space<vmem_shared>>) target_semaphore(%run_scoped3A_598 : memref<!tpu.dma_semaphore, #tpu.memory_space<semaphore_mem>>)
        tpu.wait_dma2 semaphore(%run_scoped3A_598 : memref<!tpu.dma_semaphore, #tpu.memory_space<semaphore_mem>>) src(%arg3 : memref<1000x32xbf16, #tpu.memory_space<hbm>>) dst(%arg27 : memref<1000x32xbf16, #tpu.memory_space<vmem_shared>>)
        tpu.yield
      }) : () -> ()
    } else {
    }
    %run_scoped3A = arith.constant 0 : i32
    "tpu.region"() ({
      %run_scoped3A_598 = tpu.sem_alloc : memref<!tpu.dma_semaphore, #tpu.memory_space<semaphore_mem>>
      %dma_start3A_599 = arith.constant 0 : i32
      %dma_start3A_600 = tpu.memref_slice %arg23[%run_scoped3A, %dma_start3A_599] : memref<2x6400xi32, #tpu.memory_space<vmem>> -> memref<1x6400xi32, #tpu.memory_space<vmem>>
      %dma_start3A_601 = tpu.memref_squeeze %dma_start3A_600 : memref<1x6400xi32, #tpu.memory_space<vmem>> -> memref<6400xi32, #tpu.memory_space<vmem>>
      %dma_start3A_602 = arith.constant 0 : i32
      %dma_start3A_603 = tpu.memref_slice %arg9[%add3A, %dma_start3A_602] : memref<32x6400xi32, #tpu.memory_space<hbm>> -> memref<1x6400xi32, #tpu.memory_space<hbm>>
      %dma_start3A_604 = tpu.memref_squeeze %dma_start3A_603 : memref<1x6400xi32, #tpu.memory_space<hbm>> -> memref<6400xi32, #tpu.memory_space<hbm>>
      %dma_start3A_605 = arith.constant 0 : i32
      %dma_start3A_606 = tpu.memref_slice %arg23[%run_scoped3A, %dma_start3A_605] : memref<2x6400xi32, #tpu.memory_space<vmem>> -> memref<1x6400xi32, #tpu.memory_space<vmem>>
      %dma_start3A_607 = tpu.memref_squeeze %dma_start3A_606 : memref<1x6400xi32, #tpu.memory_space<vmem>> -> memref<6400xi32, #tpu.memory_space<vmem>>
      %dma_start3A_608 = arith.constant 0 : i32
      %dma_start3A_609 = tpu.memref_slice %arg9[%add3A, %dma_start3A_608] : memref<32x6400xi32, #tpu.memory_space<hbm>> -> memref<1x6400xi32, #tpu.memory_space<hbm>>
      %dma_start3A_610 = tpu.memref_squeeze %dma_start3A_609 : memref<1x6400xi32, #tpu.memory_space<hbm>> -> memref<6400xi32, #tpu.memory_space<hbm>>
      tpu.enqueue_dma source(%dma_start3A_610 : memref<6400xi32, #tpu.memory_space<hbm>>) target(%dma_start3A_607 : memref<6400xi32, #tpu.memory_space<vmem>>) target_semaphore(%run_scoped3A_598 : memref<!tpu.dma_semaphore, #tpu.memory_space<semaphore_mem>>)
      %dma_wait3A_611 = arith.constant 0 : i32
      %dma_wait3A_612 = tpu.memref_slice %arg23[%run_scoped3A, %dma_wait3A_611] : memref<2x6400xi32, #tpu.memory_space<vmem>> -> memref<1x6400xi32, #tpu.memory_space<vmem>>
      %dma_wait3A_613 = tpu.memref_squeeze %dma_wait3A_612 : memref<1x6400xi32, #tpu.memory_space<vmem>> -> memref<6400xi32, #tpu.memory_space<vmem>>
      %dma_wait3A_614 = arith.constant 0 : i32
      %dma_wait3A_615 = tpu.memref_slice %arg9[%add3A, %dma_wait3A_614] : memref<32x6400xi32, #tpu.memory_space<hbm>> -> memref<1x6400xi32, #tpu.memory_space<hbm>>
      %dma_wait3A_616 = tpu.memref_squeeze %dma_wait3A_615 : memref<1x6400xi32, #tpu.memory_space<hbm>> -> memref<6400xi32, #tpu.memory_space<hbm>>
      %dma_wait3A_617 = arith.constant 0 : i32
      %dma_wait3A_618 = tpu.memref_slice %arg23[%run_scoped3A, %dma_wait3A_617] : memref<2x6400xi32, #tpu.memory_space<vmem>> -> memref<1x6400xi32, #tpu.memory_space<vmem>>
      %dma_wait3A_619 = tpu.memref_squeeze %dma_wait3A_618 : memref<1x6400xi32, #tpu.memory_space<vmem>> -> memref<6400xi32, #tpu.memory_space<vmem>>
      %dma_wait3A_620 = arith.constant 0 : i32
      %dma_wait3A_621 = tpu.memref_slice %arg9[%add3A, %dma_wait3A_620] : memref<32x6400xi32, #tpu.memory_space<hbm>> -> memref<1x6400xi32, #tpu.memory_space<hbm>>
      %dma_wait3A_622 = tpu.memref_squeeze %dma_wait3A_621 : memref<1x6400xi32, #tpu.memory_space<hbm>> -> memref<6400xi32, #tpu.memory_space<hbm>>
      tpu.wait_dma2 semaphore(%run_scoped3A_598 : memref<!tpu.dma_semaphore, #tpu.memory_space<semaphore_mem>>) src(%dma_wait3A_622 : memref<6400xi32, #tpu.memory_space<hbm>>) dst(%dma_wait3A_619 : memref<6400xi32, #tpu.memory_space<vmem>>)
      tpu.yield
    }) : () -> ()
    %run_scoped3A_5 = arith.constant 1 : i32
    "tpu.region"() ({
      %run_scoped3A_598 = tpu.sem_alloc : memref<!tpu.dma_semaphore, #tpu.memory_space<semaphore_mem>>
      %dma_start3A_599 = arith.constant 0 : i32
      %dma_start3A_600 = tpu.memref_slice %arg23[%run_scoped3A_5, %dma_start3A_599] : memref<2x6400xi32, #tpu.memory_space<vmem>> -> memref<1x6400xi32, #tpu.memory_space<vmem>>
      %dma_start3A_601 = tpu.memref_squeeze %dma_start3A_600 : memref<1x6400xi32, #tpu.memory_space<vmem>> -> memref<6400xi32, #tpu.memory_space<vmem>>
      %dma_start3A_602 = arith.constant 0 : i32
      %dma_start3A_603 = tpu.memref_slice %arg10[%add3A, %dma_start3A_602] : memref<32x6400xi32, #tpu.memory_space<hbm>> -> memref<1x6400xi32, #tpu.memory_space<hbm>>
      %dma_start3A_604 = tpu.memref_squeeze %dma_start3A_603 : memref<1x6400xi32, #tpu.memory_space<hbm>> -> memref<6400xi32, #tpu.memory_space<hbm>>
      %dma_start3A_605 = arith.constant 0 : i32
      %dma_start3A_606 = tpu.memref_slice %arg23[%run_scoped3A_5, %dma_start3A_605] : memref<2x6400xi32, #tpu.memory_space<vmem>> -> memref<1x6400xi32, #tpu.memory_space<vmem>>
      %dma_start3A_607 = tpu.memref_squeeze %dma_start3A_606 : memref<1x6400xi32, #tpu.memory_space<vmem>> -> memref<6400xi32, #tpu.memory_space<vmem>>
      %dma_start3A_608 = arith.constant 0 : i32
      %dma_start3A_609 = tpu.memref_slice %arg10[%add3A, %dma_start3A_608] : memref<32x6400xi32, #tpu.memory_space<hbm>> -> memref<1x6400xi32, #tpu.memory_space<hbm>>
      %dma_start3A_610 = tpu.memref_squeeze %dma_start3A_609 : memref<1x6400xi32, #tpu.memory_space<hbm>> -> memref<6400xi32, #tpu.memory_space<hbm>>
      tpu.enqueue_dma source(%dma_start3A_610 : memref<6400xi32, #tpu.memory_space<hbm>>) target(%dma_start3A_607 : memref<6400xi32, #tpu.memory_space<vmem>>) target_semaphore(%run_scoped3A_598 : memref<!tpu.dma_semaphore, #tpu.memory_space<semaphore_mem>>)
      %dma_wait3A_611 = arith.constant 0 : i32
      %dma_wait3A_612 = tpu.memref_slice %arg23[%run_scoped3A_5, %dma_wait3A_611] : memref<2x6400xi32, #tpu.memory_space<vmem>> -> memref<1x6400xi32, #tpu.memory_space<vmem>>
      %dma_wait3A_613 = tpu.memref_squeeze %dma_wait3A_612 : memref<1x6400xi32, #tpu.memory_space<vmem>> -> memref<6400xi32, #tpu.memory_space<vmem>>
      %dma_wait3A_614 = arith.constant 0 : i32
      %dma_wait3A_615 = tpu.memref_slice %arg10[%add3A, %dma_wait3A_614] : memref<32x6400xi32, #tpu.memory_space<hbm>> -> memref<1x6400xi32, #tpu.memory_space<hbm>>
      %dma_wait3A_616 = tpu.memref_squeeze %dma_wait3A_615 : memref<1x6400xi32, #tpu.memory_space<hbm>> -> memref<6400xi32, #tpu.memory_space<hbm>>
      %dma_wait3A_617 = arith.constant 0 : i32
      %dma_wait3A_618 = tpu.memref_slice %arg23[%run_scoped3A_5, %dma_wait3A_617] : memref<2x6400xi32, #tpu.memory_space<vmem>> -> memref<1x6400xi32, #tpu.memory_space<vmem>>
      %dma_wait3A_619 = tpu.memref_squeeze %dma_wait3A_618 : memref<1x6400xi32, #tpu.memory_space<vmem>> -> memref<6400xi32, #tpu.memory_space<vmem>>
      %dma_wait3A_620 = arith.constant 0 : i32
      %dma_wait3A_621 = tpu.memref_slice %arg10[%add3A, %dma_wait3A_620] : memref<32x6400xi32, #tpu.memory_space<hbm>> -> memref<1x6400xi32, #tpu.memory_space<hbm>>
      %dma_wait3A_622 = tpu.memref_squeeze %dma_wait3A_621 : memref<1x6400xi32, #tpu.memory_space<hbm>> -> memref<6400xi32, #tpu.memory_space<hbm>>
      tpu.wait_dma2 semaphore(%run_scoped3A_598 : memref<!tpu.dma_semaphore, #tpu.memory_space<semaphore_mem>>) src(%dma_wait3A_622 : memref<6400xi32, #tpu.memory_space<hbm>>) dst(%dma_wait3A_619 : memref<6400xi32, #tpu.memory_space<vmem>>)
      tpu.yield
    }) : () -> ()
    %barrier3A = arith.constant 0 : index
    tpu.barrier barrier_id(%barrier3A)
    %run_scoped3A_6 = arith.constant 0 : i32
    "tpu.region"() ({
      %run_scoped3A_598 = tpu.sem_alloc : memref<!tpu.dma_semaphore, #tpu.memory_space<semaphore_mem>>
      %dma_start3A_599 = arith.constant 0 : i32
      %dma_start3A_600 = tpu.memref_slice %arg25[%run_scoped3A_6, %dma_start3A_599] : memref<5x128xi32, #tpu.memory_space<vmem>> -> memref<1x128xi32, #tpu.memory_space<vmem>>
      %dma_start3A_601 = tpu.memref_squeeze %dma_start3A_600 : memref<1x128xi32, #tpu.memory_space<vmem>> -> memref<128xi32, #tpu.memory_space<vmem>>
      %dma_start3A_602 = tpu.memref_slice %arg11[%mul3A_2] : memref<4096xi32, #tpu.memory_space<hbm>> -> memref<128xi32, #tpu.memory_space<hbm>>
      %dma_start3A_603 = arith.constant 0 : i32
      %dma_start3A_604 = tpu.memref_slice %arg25[%run_scoped3A_6, %dma_start3A_603] : memref<5x128xi32, #tpu.memory_space<vmem>> -> memref<1x128xi32, #tpu.memory_space<vmem>>
      %dma_start3A_605 = tpu.memref_squeeze %dma_start3A_604 : memref<1x128xi32, #tpu.memory_space<vmem>> -> memref<128xi32, #tpu.memory_space<vmem>>
      %dma_start3A_606 = tpu.memref_slice %arg11[%mul3A_2] : memref<4096xi32, #tpu.memory_space<hbm>> -> memref<128xi32, #tpu.memory_space<hbm>>
      tpu.enqueue_dma source(%dma_start3A_606 : memref<128xi32, #tpu.memory_space<hbm>>) target(%dma_start3A_605 : memref<128xi32, #tpu.memory_space<vmem>>) target_semaphore(%run_scoped3A_598 : memref<!tpu.dma_semaphore, #tpu.memory_space<semaphore_mem>>)
      %dma_wait3A_607 = arith.constant 0 : i32
      %dma_wait3A_608 = tpu.memref_slice %arg25[%run_scoped3A_6, %dma_wait3A_607] : memref<5x128xi32, #tpu.memory_space<vmem>> -> memref<1x128xi32, #tpu.memory_space<vmem>>
      %dma_wait3A_609 = tpu.memref_squeeze %dma_wait3A_608 : memref<1x128xi32, #tpu.memory_space<vmem>> -> memref<128xi32, #tpu.memory_space<vmem>>
      %dma_wait3A_610 = tpu.memref_slice %arg11[%mul3A_2] : memref<4096xi32, #tpu.memory_space<hbm>> -> memref<128xi32, #tpu.memory_space<hbm>>
      %dma_wait3A_611 = arith.constant 0 : i32
      %dma_wait3A_612 = tpu.memref_slice %arg25[%run_scoped3A_6, %dma_wait3A_611] : memref<5x128xi32, #tpu.memory_space<vmem>> -> memref<1x128xi32, #tpu.memory_space<vmem>>
      %dma_wait3A_613 = tpu.memref_squeeze %dma_wait3A_612 : memref<1x128xi32, #tpu.memory_space<vmem>> -> memref<128xi32, #tpu.memory_space<vmem>>
      %dma_wait3A_614 = tpu.memref_slice %arg11[%mul3A_2] : memref<4096xi32, #tpu.memory_space<hbm>> -> memref<128xi32, #tpu.memory_space<hbm>>
      tpu.wait_dma2 semaphore(%run_scoped3A_598 : memref<!tpu.dma_semaphore, #tpu.memory_space<semaphore_mem>>) src(%dma_wait3A_614 : memref<128xi32, #tpu.memory_space<hbm>>) dst(%dma_wait3A_613 : memref<128xi32, #tpu.memory_space<vmem>>)
      tpu.yield
    }) : () -> ()
    %dma_start3A = arith.constant 0 : i32
    %dma_start3A_7 = arith.constant 0 : i32
    %dma_start3A_8 = arith.constant 0 : i32
    %dma_start3A_9 = arith.constant 0 : i32
    %dma_start3A_10 = tpu.memref_slice %arg26[%dma_start3A_7, %dma_start3A_8, %dma_start3A_9] : memref<5x128x32xf32, #tpu.memory_space<vmem>> -> memref<1x128x32xf32, #tpu.memory_space<vmem>>
    %dma_start3A_11 = tpu.memref_squeeze %dma_start3A_10 : memref<1x128x32xf32, #tpu.memory_space<vmem>> -> memref<128x32xf32, #tpu.memory_space<vmem>>
    %dma_start3A_12 = arith.constant 0 : i32
    %dma_start3A_13 = tpu.memref_slice %arg25[%dma_start3A, %dma_start3A_12] : memref<5x128xi32, #tpu.memory_space<vmem>> -> memref<1x128xi32, #tpu.memory_space<vmem>>
    %dma_start3A_14 = tpu.memref_squeeze %dma_start3A_13 : memref<1x128xi32, #tpu.memory_space<vmem>> -> memref<128xi32, #tpu.memory_space<vmem>>
    %dma_start3A_15 = arith.constant 0 : i32
    %dma_start3A_16 = arith.constant 0 : i32
    %dma_start3A_17 = tpu.memref_slice %arg4[%dma_start3A_15, %dma_start3A_16] : memref<100000x32xf32, #tpu.memory_space<hbm>> -> memref<100000x32xf32, #tpu.memory_space<hbm>>
    tpu.enqueue_indirect_dma source(%dma_start3A_17 : memref<100000x32xf32, #tpu.memory_space<hbm>>) target(%dma_start3A_11 : memref<128x32xf32, #tpu.memory_space<vmem>>) offsets(%dma_start3A_14 : memref<128xi32, #tpu.memory_space<vmem>>) semaphore(%arg32 : memref<!tpu.dma_semaphore, #tpu.memory_space<semaphore_mem>>)
    %run_scoped3A_18 = arith.constant 1 : i32
    "tpu.region"() ({
      %run_scoped3A_598 = tpu.sem_alloc : memref<!tpu.dma_semaphore, #tpu.memory_space<semaphore_mem>>
      %dma_start3A_599 = arith.constant 0 : i32
      %dma_start3A_600 = tpu.memref_slice %arg25[%run_scoped3A_18, %dma_start3A_599] : memref<5x128xi32, #tpu.memory_space<vmem>> -> memref<1x128xi32, #tpu.memory_space<vmem>>
      %dma_start3A_601 = tpu.memref_squeeze %dma_start3A_600 : memref<1x128xi32, #tpu.memory_space<vmem>> -> memref<128xi32, #tpu.memory_space<vmem>>
      %dma_start3A_602 = tpu.memref_slice %arg12[%mul3A_2] : memref<4096xi32, #tpu.memory_space<hbm>> -> memref<128xi32, #tpu.memory_space<hbm>>
      %dma_start3A_603 = arith.constant 0 : i32
      %dma_start3A_604 = tpu.memref_slice %arg25[%run_scoped3A_18, %dma_start3A_603] : memref<5x128xi32, #tpu.memory_space<vmem>> -> memref<1x128xi32, #tpu.memory_space<vmem>>
      %dma_start3A_605 = tpu.memref_squeeze %dma_start3A_604 : memref<1x128xi32, #tpu.memory_space<vmem>> -> memref<128xi32, #tpu.memory_space<vmem>>
      %dma_start3A_606 = tpu.memref_slice %arg12[%mul3A_2] : memref<4096xi32, #tpu.memory_space<hbm>> -> memref<128xi32, #tpu.memory_space<hbm>>
      tpu.enqueue_dma source(%dma_start3A_606 : memref<128xi32, #tpu.memory_space<hbm>>) target(%dma_start3A_605 : memref<128xi32, #tpu.memory_space<vmem>>) target_semaphore(%run_scoped3A_598 : memref<!tpu.dma_semaphore, #tpu.memory_space<semaphore_mem>>)
      %dma_wait3A_607 = arith.constant 0 : i32
      %dma_wait3A_608 = tpu.memref_slice %arg25[%run_scoped3A_18, %dma_wait3A_607] : memref<5x128xi32, #tpu.memory_space<vmem>> -> memref<1x128xi32, #tpu.memory_space<vmem>>
      %dma_wait3A_609 = tpu.memref_squeeze %dma_wait3A_608 : memref<1x128xi32, #tpu.memory_space<vmem>> -> memref<128xi32, #tpu.memory_space<vmem>>
      %dma_wait3A_610 = tpu.memref_slice %arg12[%mul3A_2] : memref<4096xi32, #tpu.memory_space<hbm>> -> memref<128xi32, #tpu.memory_space<hbm>>
      %dma_wait3A_611 = arith.constant 0 : i32
      %dma_wait3A_612 = tpu.memref_slice %arg25[%run_scoped3A_18, %dma_wait3A_611] : memref<5x128xi32, #tpu.memory_space<vmem>> -> memref<1x128xi32, #tpu.memory_space<vmem>>
      %dma_wait3A_613 = tpu.memref_squeeze %dma_wait3A_612 : memref<1x128xi32, #tpu.memory_space<vmem>> -> memref<128xi32, #tpu.memory_space<vmem>>
      %dma_wait3A_614 = tpu.memref_slice %arg12[%mul3A_2] : memref<4096xi32, #tpu.memory_space<hbm>> -> memref<128xi32, #tpu.memory_space<hbm>>
      tpu.wait_dma2 semaphore(%run_scoped3A_598 : memref<!tpu.dma_semaphore, #tpu.memory_space<semaphore_mem>>) src(%dma_wait3A_614 : memref<128xi32, #tpu.memory_space<hbm>>) dst(%dma_wait3A_613 : memref<128xi32, #tpu.memory_space<vmem>>)
      tpu.yield
    }) : () -> ()
    %dma_start3A_19 = arith.constant 1 : i32
    %dma_start3A_20 = arith.constant 1 : i32
    %dma_start3A_21 = arith.constant 0 : i32
    %dma_start3A_22 = arith.constant 0 : i32
    %dma_start3A_23 = tpu.memref_slice %arg26[%dma_start3A_20, %dma_start3A_21, %dma_start3A_22] : memref<5x128x32xf32, #tpu.memory_space<vmem>> -> memref<1x128x32xf32, #tpu.memory_space<vmem>>
    %dma_start3A_24 = tpu.memref_squeeze %dma_start3A_23 : memref<1x128x32xf32, #tpu.memory_space<vmem>> -> memref<128x32xf32, #tpu.memory_space<vmem>>
    %dma_start3A_25 = arith.constant 0 : i32
    %dma_start3A_26 = tpu.memref_slice %arg25[%dma_start3A_19, %dma_start3A_25] : memref<5x128xi32, #tpu.memory_space<vmem>> -> memref<1x128xi32, #tpu.memory_space<vmem>>
    %dma_start3A_27 = tpu.memref_squeeze %dma_start3A_26 : memref<1x128xi32, #tpu.memory_space<vmem>> -> memref<128xi32, #tpu.memory_space<vmem>>
    %dma_start3A_28 = arith.constant 0 : i32
    %dma_start3A_29 = arith.constant 0 : i32
    %dma_start3A_30 = tpu.memref_slice %arg5[%dma_start3A_28, %dma_start3A_29] : memref<100x32xf32, #tpu.memory_space<hbm>> -> memref<100x32xf32, #tpu.memory_space<hbm>>
    tpu.enqueue_indirect_dma source(%dma_start3A_30 : memref<100x32xf32, #tpu.memory_space<hbm>>) target(%dma_start3A_24 : memref<128x32xf32, #tpu.memory_space<vmem>>) offsets(%dma_start3A_27 : memref<128xi32, #tpu.memory_space<vmem>>) semaphore(%arg32 : memref<!tpu.dma_semaphore, #tpu.memory_space<semaphore_mem>>)
    %run_scoped3A_31 = arith.constant 2 : i32
    "tpu.region"() ({
      %run_scoped3A_598 = tpu.sem_alloc : memref<!tpu.dma_semaphore, #tpu.memory_space<semaphore_mem>>
      %dma_start3A_599 = arith.constant 0 : i32
      %dma_start3A_600 = tpu.memref_slice %arg25[%run_scoped3A_31, %dma_start3A_599] : memref<5x128xi32, #tpu.memory_space<vmem>> -> memref<1x128xi32, #tpu.memory_space<vmem>>
      %dma_start3A_601 = tpu.memref_squeeze %dma_start3A_600 : memref<1x128xi32, #tpu.memory_space<vmem>> -> memref<128xi32, #tpu.memory_space<vmem>>
      %dma_start3A_602 = tpu.memref_slice %arg13[%mul3A_2] : memref<4096xi32, #tpu.memory_space<hbm>> -> memref<128xi32, #tpu.memory_space<hbm>>
      %dma_start3A_603 = arith.constant 0 : i32
      %dma_start3A_604 = tpu.memref_slice %arg25[%run_scoped3A_31, %dma_start3A_603] : memref<5x128xi32, #tpu.memory_space<vmem>> -> memref<1x128xi32, #tpu.memory_space<vmem>>
      %dma_start3A_605 = tpu.memref_squeeze %dma_start3A_604 : memref<1x128xi32, #tpu.memory_space<vmem>> -> memref<128xi32, #tpu.memory_space<vmem>>
      %dma_start3A_606 = tpu.memref_slice %arg13[%mul3A_2] : memref<4096xi32, #tpu.memory_space<hbm>> -> memref<128xi32, #tpu.memory_space<hbm>>
      tpu.enqueue_dma source(%dma_start3A_606 : memref<128xi32, #tpu.memory_space<hbm>>) target(%dma_start3A_605 : memref<128xi32, #tpu.memory_space<vmem>>) target_semaphore(%run_scoped3A_598 : memref<!tpu.dma_semaphore, #tpu.memory_space<semaphore_mem>>)
      %dma_wait3A_607 = arith.constant 0 : i32
      %dma_wait3A_608 = tpu.memref_slice %arg25[%run_scoped3A_31, %dma_wait3A_607] : memref<5x128xi32, #tpu.memory_space<vmem>> -> memref<1x128xi32, #tpu.memory_space<vmem>>
      %dma_wait3A_609 = tpu.memref_squeeze %dma_wait3A_608 : memref<1x128xi32, #tpu.memory_space<vmem>> -> memref<128xi32, #tpu.memory_space<vmem>>
      %dma_wait3A_610 = tpu.memref_slice %arg13[%mul3A_2] : memref<4096xi32, #tpu.memory_space<hbm>> -> memref<128xi32, #tpu.memory_space<hbm>>
      %dma_wait3A_611 = arith.constant 0 : i32
      %dma_wait3A_612 = tpu.memref_slice %arg25[%run_scoped3A_31, %dma_wait3A_611] : memref<5x128xi32, #tpu.memory_space<vmem>> -> memref<1x128xi32, #tpu.memory_space<vmem>>
      %dma_wait3A_613 = tpu.memref_squeeze %dma_wait3A_612 : memref<1x128xi32, #tpu.memory_space<vmem>> -> memref<128xi32, #tpu.memory_space<vmem>>
      %dma_wait3A_614 = tpu.memref_slice %arg13[%mul3A_2] : memref<4096xi32, #tpu.memory_space<hbm>> -> memref<128xi32, #tpu.memory_space<hbm>>
      tpu.wait_dma2 semaphore(%run_scoped3A_598 : memref<!tpu.dma_semaphore, #tpu.memory_space<semaphore_mem>>) src(%dma_wait3A_614 : memref<128xi32, #tpu.memory_space<hbm>>) dst(%dma_wait3A_613 : memref<128xi32, #tpu.memory_space<vmem>>)
      tpu.yield
    }) : () -> ()
    %dma_start3A_32 = arith.constant 2 : i32
    %dma_start3A_33 = arith.constant 2 : i32
    %dma_start3A_34 = arith.constant 0 : i32
    %dma_start3A_35 = arith.constant 0 : i32
    %dma_start3A_36 = tpu.memref_slice %arg26[%dma_start3A_33, %dma_start3A_34, %dma_start3A_35] : memref<5x128x32xf32, #tpu.memory_space<vmem>> -> memref<1x128x32xf32, #tpu.memory_space<vmem>>
    %dma_start3A_37 = tpu.memref_squeeze %dma_start3A_36 : memref<1x128x32xf32, #tpu.memory_space<vmem>> -> memref<128x32xf32, #tpu.memory_space<vmem>>
    %dma_start3A_38 = arith.constant 0 : i32
    %dma_start3A_39 = tpu.memref_slice %arg25[%dma_start3A_32, %dma_start3A_38] : memref<5x128xi32, #tpu.memory_space<vmem>> -> memref<1x128xi32, #tpu.memory_space<vmem>>
    %dma_start3A_40 = tpu.memref_squeeze %dma_start3A_39 : memref<1x128xi32, #tpu.memory_space<vmem>> -> memref<128xi32, #tpu.memory_space<vmem>>
    %dma_start3A_41 = arith.constant 0 : i32
    %dma_start3A_42 = arith.constant 0 : i32
    %dma_start3A_43 = tpu.memref_slice %arg6[%dma_start3A_41, %dma_start3A_42] : memref<4x32xf32, #tpu.memory_space<hbm>> -> memref<4x32xf32, #tpu.memory_space<hbm>>
    tpu.enqueue_indirect_dma source(%dma_start3A_43 : memref<4x32xf32, #tpu.memory_space<hbm>>) target(%dma_start3A_37 : memref<128x32xf32, #tpu.memory_space<vmem>>) offsets(%dma_start3A_40 : memref<128xi32, #tpu.memory_space<vmem>>) semaphore(%arg32 : memref<!tpu.dma_semaphore, #tpu.memory_space<semaphore_mem>>)
    %run_scoped3A_44 = arith.constant 3 : i32
    "tpu.region"() ({
      %run_scoped3A_598 = tpu.sem_alloc : memref<!tpu.dma_semaphore, #tpu.memory_space<semaphore_mem>>
      %dma_start3A_599 = arith.constant 0 : i32
      %dma_start3A_600 = tpu.memref_slice %arg25[%run_scoped3A_44, %dma_start3A_599] : memref<5x128xi32, #tpu.memory_space<vmem>> -> memref<1x128xi32, #tpu.memory_space<vmem>>
      %dma_start3A_601 = tpu.memref_squeeze %dma_start3A_600 : memref<1x128xi32, #tpu.memory_space<vmem>> -> memref<128xi32, #tpu.memory_space<vmem>>
      %dma_start3A_602 = tpu.memref_slice %arg14[%mul3A_2] : memref<4096xi32, #tpu.memory_space<hbm>> -> memref<128xi32, #tpu.memory_space<hbm>>
      %dma_start3A_603 = arith.constant 0 : i32
      %dma_start3A_604 = tpu.memref_slice %arg25[%run_scoped3A_44, %dma_start3A_603] : memref<5x128xi32, #tpu.memory_space<vmem>> -> memref<1x128xi32, #tpu.memory_space<vmem>>
      %dma_start3A_605 = tpu.memref_squeeze %dma_start3A_604 : memref<1x128xi32, #tpu.memory_space<vmem>> -> memref<128xi32, #tpu.memory_space<vmem>>
      %dma_start3A_606 = tpu.memref_slice %arg14[%mul3A_2] : memref<4096xi32, #tpu.memory_space<hbm>> -> memref<128xi32, #tpu.memory_space<hbm>>
      tpu.enqueue_dma source(%dma_start3A_606 : memref<128xi32, #tpu.memory_space<hbm>>) target(%dma_start3A_605 : memref<128xi32, #tpu.memory_space<vmem>>) target_semaphore(%run_scoped3A_598 : memref<!tpu.dma_semaphore, #tpu.memory_space<semaphore_mem>>)
      %dma_wait3A_607 = arith.constant 0 : i32
      %dma_wait3A_608 = tpu.memref_slice %arg25[%run_scoped3A_44, %dma_wait3A_607] : memref<5x128xi32, #tpu.memory_space<vmem>> -> memref<1x128xi32, #tpu.memory_space<vmem>>
      %dma_wait3A_609 = tpu.memref_squeeze %dma_wait3A_608 : memref<1x128xi32, #tpu.memory_space<vmem>> -> memref<128xi32, #tpu.memory_space<vmem>>
      %dma_wait3A_610 = tpu.memref_slice %arg14[%mul3A_2] : memref<4096xi32, #tpu.memory_space<hbm>> -> memref<128xi32, #tpu.memory_space<hbm>>
      %dma_wait3A_611 = arith.constant 0 : i32
      %dma_wait3A_612 = tpu.memref_slice %arg25[%run_scoped3A_44, %dma_wait3A_611] : memref<5x128xi32, #tpu.memory_space<vmem>> -> memref<1x128xi32, #tpu.memory_space<vmem>>
      %dma_wait3A_613 = tpu.memref_squeeze %dma_wait3A_612 : memref<1x128xi32, #tpu.memory_space<vmem>> -> memref<128xi32, #tpu.memory_space<vmem>>
      %dma_wait3A_614 = tpu.memref_slice %arg14[%mul3A_2] : memref<4096xi32, #tpu.memory_space<hbm>> -> memref<128xi32, #tpu.memory_space<hbm>>
      tpu.wait_dma2 semaphore(%run_scoped3A_598 : memref<!tpu.dma_semaphore, #tpu.memory_space<semaphore_mem>>) src(%dma_wait3A_614 : memref<128xi32, #tpu.memory_space<hbm>>) dst(%dma_wait3A_613 : memref<128xi32, #tpu.memory_space<vmem>>)
      tpu.yield
    }) : () -> ()
    %dma_start3A_45 = arith.constant 3 : i32
    %dma_start3A_46 = arith.constant 3 : i32
    %dma_start3A_47 = arith.constant 0 : i32
    %dma_start3A_48 = arith.constant 0 : i32
    %dma_start3A_49 = tpu.memref_slice %arg26[%dma_start3A_46, %dma_start3A_47, %dma_start3A_48] : memref<5x128x32xf32, #tpu.memory_space<vmem>> -> memref<1x128x32xf32, #tpu.memory_space<vmem>>
    %dma_start3A_50 = tpu.memref_squeeze %dma_start3A_49 : memref<1x128x32xf32, #tpu.memory_space<vmem>> -> memref<128x32xf32, #tpu.memory_space<vmem>>
    %dma_start3A_51 = arith.constant 0 : i32
    %dma_start3A_52 = tpu.memref_slice %arg25[%dma_start3A_45, %dma_start3A_51] : memref<5x128xi32, #tpu.memory_space<vmem>> -> memref<1x128xi32, #tpu.memory_space<vmem>>
    %dma_start3A_53 = tpu.memref_squeeze %dma_start3A_52 : memref<1x128xi32, #tpu.memory_space<vmem>> -> memref<128xi32, #tpu.memory_space<vmem>>
    %dma_start3A_54 = arith.constant 0 : i32
    %dma_start3A_55 = arith.constant 0 : i32
    %dma_start3A_56 = tpu.memref_slice %arg7[%dma_start3A_54, %dma_start3A_55] : memref<100000x32xf32, #tpu.memory_space<hbm>> -> memref<100000x32xf32, #tpu.memory_space<hbm>>
    tpu.enqueue_indirect_dma source(%dma_start3A_56 : memref<100000x32xf32, #tpu.memory_space<hbm>>) target(%dma_start3A_50 : memref<128x32xf32, #tpu.memory_space<vmem>>) offsets(%dma_start3A_53 : memref<128xi32, #tpu.memory_space<vmem>>) semaphore(%arg32 : memref<!tpu.dma_semaphore, #tpu.memory_space<semaphore_mem>>)
    %run_scoped3A_57 = arith.constant 4 : i32
    "tpu.region"() ({
      %run_scoped3A_598 = tpu.sem_alloc : memref<!tpu.dma_semaphore, #tpu.memory_space<semaphore_mem>>
      %dma_start3A_599 = arith.constant 0 : i32
      %dma_start3A_600 = tpu.memref_slice %arg25[%run_scoped3A_57, %dma_start3A_599] : memref<5x128xi32, #tpu.memory_space<vmem>> -> memref<1x128xi32, #tpu.memory_space<vmem>>
      %dma_start3A_601 = tpu.memref_squeeze %dma_start3A_600 : memref<1x128xi32, #tpu.memory_space<vmem>> -> memref<128xi32, #tpu.memory_space<vmem>>
      %dma_start3A_602 = tpu.memref_slice %arg15[%mul3A_2] : memref<4096xi32, #tpu.memory_space<hbm>> -> memref<128xi32, #tpu.memory_space<hbm>>
      %dma_start3A_603 = arith.constant 0 : i32
      %dma_start3A_604 = tpu.memref_slice %arg25[%run_scoped3A_57, %dma_start3A_603] : memref<5x128xi32, #tpu.memory_space<vmem>> -> memref<1x128xi32, #tpu.memory_space<vmem>>
      %dma_start3A_605 = tpu.memref_squeeze %dma_start3A_604 : memref<1x128xi32, #tpu.memory_space<vmem>> -> memref<128xi32, #tpu.memory_space<vmem>>
      %dma_start3A_606 = tpu.memref_slice %arg15[%mul3A_2] : memref<4096xi32, #tpu.memory_space<hbm>> -> memref<128xi32, #tpu.memory_space<hbm>>
      tpu.enqueue_dma source(%dma_start3A_606 : memref<128xi32, #tpu.memory_space<hbm>>) target(%dma_start3A_605 : memref<128xi32, #tpu.memory_space<vmem>>) target_semaphore(%run_scoped3A_598 : memref<!tpu.dma_semaphore, #tpu.memory_space<semaphore_mem>>)
      %dma_wait3A_607 = arith.constant 0 : i32
      %dma_wait3A_608 = tpu.memref_slice %arg25[%run_scoped3A_57, %dma_wait3A_607] : memref<5x128xi32, #tpu.memory_space<vmem>> -> memref<1x128xi32, #tpu.memory_space<vmem>>
      %dma_wait3A_609 = tpu.memref_squeeze %dma_wait3A_608 : memref<1x128xi32, #tpu.memory_space<vmem>> -> memref<128xi32, #tpu.memory_space<vmem>>
      %dma_wait3A_610 = tpu.memref_slice %arg15[%mul3A_2] : memref<4096xi32, #tpu.memory_space<hbm>> -> memref<128xi32, #tpu.memory_space<hbm>>
      %dma_wait3A_611 = arith.constant 0 : i32
      %dma_wait3A_612 = tpu.memref_slice %arg25[%run_scoped3A_57, %dma_wait3A_611] : memref<5x128xi32, #tpu.memory_space<vmem>> -> memref<1x128xi32, #tpu.memory_space<vmem>>
      %dma_wait3A_613 = tpu.memref_squeeze %dma_wait3A_612 : memref<1x128xi32, #tpu.memory_space<vmem>> -> memref<128xi32, #tpu.memory_space<vmem>>
      %dma_wait3A_614 = tpu.memref_slice %arg15[%mul3A_2] : memref<4096xi32, #tpu.memory_space<hbm>> -> memref<128xi32, #tpu.memory_space<hbm>>
      tpu.wait_dma2 semaphore(%run_scoped3A_598 : memref<!tpu.dma_semaphore, #tpu.memory_space<semaphore_mem>>) src(%dma_wait3A_614 : memref<128xi32, #tpu.memory_space<hbm>>) dst(%dma_wait3A_613 : memref<128xi32, #tpu.memory_space<vmem>>)
      tpu.yield
    }) : () -> ()
    %dma_start3A_58 = arith.constant 4 : i32
    %dma_start3A_59 = arith.constant 4 : i32
    %dma_start3A_60 = arith.constant 0 : i32
    %dma_start3A_61 = arith.constant 0 : i32
    %dma_start3A_62 = tpu.memref_slice %arg26[%dma_start3A_59, %dma_start3A_60, %dma_start3A_61] : memref<5x128x32xf32, #tpu.memory_space<vmem>> -> memref<1x128x32xf32, #tpu.memory_space<vmem>>
    %dma_start3A_63 = tpu.memref_squeeze %dma_start3A_62 : memref<1x128x32xf32, #tpu.memory_space<vmem>> -> memref<128x32xf32, #tpu.memory_space<vmem>>
    %dma_start3A_64 = arith.constant 0 : i32
    %dma_start3A_65 = tpu.memref_slice %arg25[%dma_start3A_58, %dma_start3A_64] : memref<5x128xi32, #tpu.memory_space<vmem>> -> memref<1x128xi32, #tpu.memory_space<vmem>>
    %dma_start3A_66 = tpu.memref_squeeze %dma_start3A_65 : memref<1x128xi32, #tpu.memory_space<vmem>> -> memref<128xi32, #tpu.memory_space<vmem>>
    %dma_start3A_67 = arith.constant 0 : i32
    %dma_start3A_68 = arith.constant 0 : i32
    %dma_start3A_69 = tpu.memref_slice %arg8[%dma_start3A_67, %dma_start3A_68] : memref<1000x32xf32, #tpu.memory_space<hbm>> -> memref<1000x32xf32, #tpu.memory_space<hbm>>
    tpu.enqueue_indirect_dma source(%dma_start3A_69 : memref<1000x32xf32, #tpu.memory_space<hbm>>) target(%dma_start3A_63 : memref<128x32xf32, #tpu.memory_space<vmem>>) offsets(%dma_start3A_66 : memref<128xi32, #tpu.memory_space<vmem>>) semaphore(%arg32 : memref<!tpu.dma_semaphore, #tpu.memory_space<semaphore_mem>>)
    %dma_start3A_70 = arith.constant 0 : i32
    %dma_start3A_71 = arith.constant 0 : i32
    %dma_start3A_72 = arith.constant 0 : i32
    %dma_start3A_73 = arith.constant 0 : i32
    %dma_start3A_74 = tpu.memref_slice %arg24[%dma_start3A_71, %dma_start3A_72, %dma_start3A_73] : memref<2x1600x32xbf16, #tpu.memory_space<vmem>> -> memref<1x1600x32xbf16, #tpu.memory_space<vmem>>
    %dma_start3A_75 = tpu.memref_squeeze %dma_start3A_74 : memref<1x1600x32xbf16, #tpu.memory_space<vmem>> -> memref<1600x32xbf16, #tpu.memory_space<vmem>>
    %dma_start3A_76 = arith.constant 0 : i32
    %dma_start3A_77 = tpu.memref_slice %arg23[%dma_start3A_70, %dma_start3A_76] : memref<2x6400xi32, #tpu.memory_space<vmem>> -> memref<1x6400xi32, #tpu.memory_space<vmem>>
    %dma_start3A_78 = tpu.memref_squeeze %dma_start3A_77 : memref<1x6400xi32, #tpu.memory_space<vmem>> -> memref<6400xi32, #tpu.memory_space<vmem>>
    %dma_start3A_79 = arith.constant 0 : i32
    %dma_start3A_80 = tpu.memref_slice %dma_start3A_78[%dma_start3A_79] : memref<6400xi32, #tpu.memory_space<vmem>> -> memref<1600xi32, #tpu.memory_space<vmem>>
    %dma_start3A_81 = arith.constant 0 : i32
    %dma_start3A_82 = arith.constant 0 : i32
    %dma_start3A_83 = tpu.memref_slice %arg2[%dma_start3A_81, %dma_start3A_82] : memref<100000x32xbf16, #tpu.memory_space<hbm>> -> memref<100000x32xbf16, #tpu.memory_space<hbm>>
    tpu.enqueue_indirect_dma source(%dma_start3A_83 : memref<100000x32xbf16, #tpu.memory_space<hbm>>) target(%dma_start3A_75 : memref<1600x32xbf16, #tpu.memory_space<vmem>>) offsets(%dma_start3A_80 : memref<1600xi32, #tpu.memory_space<vmem>>) semaphore(%arg28 : memref<!tpu.dma_semaphore, #tpu.memory_space<semaphore_mem>>)
    %dma_start3A_84 = arith.constant 0 : i32
    %dma_start3A_85 = arith.constant 1 : i32
    %dma_start3A_86 = arith.constant 0 : i32
    %dma_start3A_87 = arith.constant 0 : i32
    %dma_start3A_88 = tpu.memref_slice %arg24[%dma_start3A_85, %dma_start3A_86, %dma_start3A_87] : memref<2x1600x32xbf16, #tpu.memory_space<vmem>> -> memref<1x1600x32xbf16, #tpu.memory_space<vmem>>
    %dma_start3A_89 = tpu.memref_squeeze %dma_start3A_88 : memref<1x1600x32xbf16, #tpu.memory_space<vmem>> -> memref<1600x32xbf16, #tpu.memory_space<vmem>>
    %dma_start3A_90 = arith.constant 0 : i32
    %dma_start3A_91 = tpu.memref_slice %arg23[%dma_start3A_84, %dma_start3A_90] : memref<2x6400xi32, #tpu.memory_space<vmem>> -> memref<1x6400xi32, #tpu.memory_space<vmem>>
    %dma_start3A_92 = tpu.memref_squeeze %dma_start3A_91 : memref<1x6400xi32, #tpu.memory_space<vmem>> -> memref<6400xi32, #tpu.memory_space<vmem>>
    %dma_start3A_93 = arith.constant 1600 : i32
    %dma_start3A_94 = tpu.memref_slice %dma_start3A_92[%dma_start3A_93] : memref<6400xi32, #tpu.memory_space<vmem>> -> memref<1600xi32, #tpu.memory_space<vmem>>
    %dma_start3A_95 = arith.constant 0 : i32
    %dma_start3A_96 = arith.constant 0 : i32
    %dma_start3A_97 = tpu.memref_slice %arg2[%dma_start3A_95, %dma_start3A_96] : memref<100000x32xbf16, #tpu.memory_space<hbm>> -> memref<100000x32xbf16, #tpu.memory_space<hbm>>
    tpu.enqueue_indirect_dma source(%dma_start3A_97 : memref<100000x32xbf16, #tpu.memory_space<hbm>>) target(%dma_start3A_89 : memref<1600x32xbf16, #tpu.memory_space<vmem>>) offsets(%dma_start3A_94 : memref<1600xi32, #tpu.memory_space<vmem>>) semaphore(%arg29 : memref<!tpu.dma_semaphore, #tpu.memory_space<semaphore_mem>>)
    %dma_wait3A = arith.constant 0 : i32
    %dma_wait3A_98 = arith.constant 0 : i32
    %dma_wait3A_99 = arith.constant 0 : i32
    %dma_wait3A_100 = arith.constant 0 : i32
    %dma_wait3A_101 = tpu.memref_slice %arg24[%dma_wait3A_98, %dma_wait3A_99, %dma_wait3A_100] : memref<2x1600x32xbf16, #tpu.memory_space<vmem>> -> memref<1x1600x32xbf16, #tpu.memory_space<vmem>>
    %dma_wait3A_102 = tpu.memref_squeeze %dma_wait3A_101 : memref<1x1600x32xbf16, #tpu.memory_space<vmem>> -> memref<1600x32xbf16, #tpu.memory_space<vmem>>
    %dma_wait3A_103 = arith.constant 0 : i32
    %dma_wait3A_104 = tpu.memref_slice %arg23[%dma_wait3A, %dma_wait3A_103] : memref<2x6400xi32, #tpu.memory_space<vmem>> -> memref<1x6400xi32, #tpu.memory_space<vmem>>
    %dma_wait3A_105 = tpu.memref_squeeze %dma_wait3A_104 : memref<1x6400xi32, #tpu.memory_space<vmem>> -> memref<6400xi32, #tpu.memory_space<vmem>>
    %dma_wait3A_106 = arith.constant 0 : i32
    %dma_wait3A_107 = tpu.memref_slice %dma_wait3A_105[%dma_wait3A_106] : memref<6400xi32, #tpu.memory_space<vmem>> -> memref<1600xi32, #tpu.memory_space<vmem>>
    %dma_wait3A_108 = arith.constant 0 : i32
    %dma_wait3A_109 = arith.constant 0 : i32
    %dma_wait3A_110 = tpu.memref_slice %arg2[%dma_wait3A_108, %dma_wait3A_109] : memref<100000x32xbf16, #tpu.memory_space<hbm>> -> memref<100000x32xbf16, #tpu.memory_space<hbm>>
    tpu.wait_indirect_dma semaphore(%arg28 : memref<!tpu.dma_semaphore, #tpu.memory_space<semaphore_mem>>) src(%dma_wait3A_110 : memref<100000x32xbf16, #tpu.memory_space<hbm>>) dst(%dma_wait3A_102 : memref<1600x32xbf16, #tpu.memory_space<vmem>>)
    %mul3A_111 = arith.constant 6400 : i32
    %mul3A_112 = arith.muli %add3A, %mul3A_111 : i32
    %add3A_113 = arith.constant 0 : i32
    %add3A_114 = arith.addi %mul3A_112, %add3A_113 : i32
    %dma_start3A_115 = arith.constant 0 : i32
    %dma_start3A_116 = arith.constant 0 : i32
    %dma_start3A_117 = arith.constant 0 : i32
    %dma_start3A_118 = tpu.memref_slice %arg24[%dma_start3A_115, %dma_start3A_116, %dma_start3A_117] : memref<2x1600x32xbf16, #tpu.memory_space<vmem>> -> memref<1x1600x32xbf16, #tpu.memory_space<vmem>>
    %dma_start3A_119 = tpu.memref_squeeze %dma_start3A_118 : memref<1x1600x32xbf16, #tpu.memory_space<vmem>> -> memref<1600x32xbf16, #tpu.memory_space<vmem>>
    %dma_start3A_120 = arith.constant 0 : i32
    %dma_start3A_121 = tpu.memref_slice %arg16[%add3A_114, %dma_start3A_120] : memref<204800x32xbf16, #tpu.memory_space<hbm>> -> memref<1600x32xbf16, #tpu.memory_space<hbm>>
    %dma_start3A_122 = arith.constant 0 : i32
    %dma_start3A_123 = tpu.memref_slice %arg16[%add3A_114, %dma_start3A_122] : memref<204800x32xbf16, #tpu.memory_space<hbm>> -> memref<1600x32xbf16, #tpu.memory_space<hbm>>
    %dma_start3A_124 = arith.constant 0 : i32
    %dma_start3A_125 = arith.constant 0 : i32
    %dma_start3A_126 = tpu.memref_slice %arg24[%dma_start3A_115, %dma_start3A_124, %dma_start3A_125] : memref<2x1600x32xbf16, #tpu.memory_space<vmem>> -> memref<1x1600x32xbf16, #tpu.memory_space<vmem>>
    %dma_start3A_127 = tpu.memref_squeeze %dma_start3A_126 : memref<1x1600x32xbf16, #tpu.memory_space<vmem>> -> memref<1600x32xbf16, #tpu.memory_space<vmem>>
    tpu.enqueue_dma source(%dma_start3A_127 : memref<1600x32xbf16, #tpu.memory_space<vmem>>) target(%dma_start3A_123 : memref<1600x32xbf16, #tpu.memory_space<hbm>>) target_semaphore(%arg30 : memref<!tpu.dma_semaphore, #tpu.memory_space<semaphore_mem>>)
    %dma_wait3A_128 = arith.constant 0 : i32
    %dma_wait3A_129 = arith.constant 0 : i32
    %dma_wait3A_130 = arith.constant 0 : i32
    %dma_wait3A_131 = tpu.memref_slice %arg24[%dma_wait3A_128, %dma_wait3A_129, %dma_wait3A_130] : memref<2x1600x32xbf16, #tpu.memory_space<vmem>> -> memref<1x1600x32xbf16, #tpu.memory_space<vmem>>
    %dma_wait3A_132 = tpu.memref_squeeze %dma_wait3A_131 : memref<1x1600x32xbf16, #tpu.memory_space<vmem>> -> memref<1600x32xbf16, #tpu.memory_space<vmem>>
    %dma_wait3A_133 = arith.constant 0 : i32
    %dma_wait3A_134 = tpu.memref_slice %arg16[%add3A_114, %dma_wait3A_133] : memref<204800x32xbf16, #tpu.memory_space<hbm>> -> memref<1600x32xbf16, #tpu.memory_space<hbm>>
    %dma_wait3A_135 = arith.constant 0 : i32
    %dma_wait3A_136 = tpu.memref_slice %arg16[%add3A_114, %dma_wait3A_135] : memref<204800x32xbf16, #tpu.memory_space<hbm>> -> memref<1600x32xbf16, #tpu.memory_space<hbm>>
    %dma_wait3A_137 = arith.constant 0 : i32
    %dma_wait3A_138 = arith.constant 0 : i32
    %dma_wait3A_139 = tpu.memref_slice %arg24[%dma_wait3A_128, %dma_wait3A_137, %dma_wait3A_138] : memref<2x1600x32xbf16, #tpu.memory_space<vmem>> -> memref<1x1600x32xbf16, #tpu.memory_space<vmem>>
    %dma_wait3A_140 = tpu.memref_squeeze %dma_wait3A_139 : memref<1x1600x32xbf16, #tpu.memory_space<vmem>> -> memref<1600x32xbf16, #tpu.memory_space<vmem>>
    tpu.wait_dma2 semaphore(%arg30 : memref<!tpu.dma_semaphore, #tpu.memory_space<semaphore_mem>>) src(%dma_wait3A_140 : memref<1600x32xbf16, #tpu.memory_space<vmem>>) dst(%dma_wait3A_136 : memref<1600x32xbf16, #tpu.memory_space<hbm>>)
    %dma_start3A_141 = arith.constant 0 : i32
    %dma_start3A_142 = arith.constant 0 : i32
    %dma_start3A_143 = arith.constant 0 : i32
    %dma_start3A_144 = arith.constant 0 : i32
    %dma_start3A_145 = tpu.memref_slice %arg24[%dma_start3A_142, %dma_start3A_143, %dma_start3A_144] : memref<2x1600x32xbf16, #tpu.memory_space<vmem>> -> memref<1x1600x32xbf16, #tpu.memory_space<vmem>>
    %dma_start3A_146 = tpu.memref_squeeze %dma_start3A_145 : memref<1x1600x32xbf16, #tpu.memory_space<vmem>> -> memref<1600x32xbf16, #tpu.memory_space<vmem>>
    %dma_start3A_147 = arith.constant 0 : i32
    %dma_start3A_148 = tpu.memref_slice %arg23[%dma_start3A_141, %dma_start3A_147] : memref<2x6400xi32, #tpu.memory_space<vmem>> -> memref<1x6400xi32, #tpu.memory_space<vmem>>
    %dma_start3A_149 = tpu.memref_squeeze %dma_start3A_148 : memref<1x6400xi32, #tpu.memory_space<vmem>> -> memref<6400xi32, #tpu.memory_space<vmem>>
    %dma_start3A_150 = arith.constant 3200 : i32
    %dma_start3A_151 = tpu.memref_slice %dma_start3A_149[%dma_start3A_150] : memref<6400xi32, #tpu.memory_space<vmem>> -> memref<1600xi32, #tpu.memory_space<vmem>>
    %dma_start3A_152 = arith.constant 0 : i32
    %dma_start3A_153 = arith.constant 0 : i32
    %dma_start3A_154 = tpu.memref_slice %arg2[%dma_start3A_152, %dma_start3A_153] : memref<100000x32xbf16, #tpu.memory_space<hbm>> -> memref<100000x32xbf16, #tpu.memory_space<hbm>>
    tpu.enqueue_indirect_dma source(%dma_start3A_154 : memref<100000x32xbf16, #tpu.memory_space<hbm>>) target(%dma_start3A_146 : memref<1600x32xbf16, #tpu.memory_space<vmem>>) offsets(%dma_start3A_151 : memref<1600xi32, #tpu.memory_space<vmem>>) semaphore(%arg28 : memref<!tpu.dma_semaphore, #tpu.memory_space<semaphore_mem>>)
    %dma_wait3A_155 = arith.constant 0 : i32
    %dma_wait3A_156 = arith.constant 1 : i32
    %dma_wait3A_157 = arith.constant 0 : i32
    %dma_wait3A_158 = arith.constant 0 : i32
    %dma_wait3A_159 = tpu.memref_slice %arg24[%dma_wait3A_156, %dma_wait3A_157, %dma_wait3A_158] : memref<2x1600x32xbf16, #tpu.memory_space<vmem>> -> memref<1x1600x32xbf16, #tpu.memory_space<vmem>>
    %dma_wait3A_160 = tpu.memref_squeeze %dma_wait3A_159 : memref<1x1600x32xbf16, #tpu.memory_space<vmem>> -> memref<1600x32xbf16, #tpu.memory_space<vmem>>
    %dma_wait3A_161 = arith.constant 0 : i32
    %dma_wait3A_162 = tpu.memref_slice %arg23[%dma_wait3A_155, %dma_wait3A_161] : memref<2x6400xi32, #tpu.memory_space<vmem>> -> memref<1x6400xi32, #tpu.memory_space<vmem>>
    %dma_wait3A_163 = tpu.memref_squeeze %dma_wait3A_162 : memref<1x6400xi32, #tpu.memory_space<vmem>> -> memref<6400xi32, #tpu.memory_space<vmem>>
    %dma_wait3A_164 = arith.constant 1600 : i32
    %dma_wait3A_165 = tpu.memref_slice %dma_wait3A_163[%dma_wait3A_164] : memref<6400xi32, #tpu.memory_space<vmem>> -> memref<1600xi32, #tpu.memory_space<vmem>>
    %dma_wait3A_166 = arith.constant 0 : i32
    %dma_wait3A_167 = arith.constant 0 : i32
    %dma_wait3A_168 = tpu.memref_slice %arg2[%dma_wait3A_166, %dma_wait3A_167] : memref<100000x32xbf16, #tpu.memory_space<hbm>> -> memref<100000x32xbf16, #tpu.memory_space<hbm>>
    tpu.wait_indirect_dma semaphore(%arg29 : memref<!tpu.dma_semaphore, #tpu.memory_space<semaphore_mem>>) src(%dma_wait3A_168 : memref<100000x32xbf16, #tpu.memory_space<hbm>>) dst(%dma_wait3A_160 : memref<1600x32xbf16, #tpu.memory_space<vmem>>)
    %mul3A_169 = arith.constant 6400 : i32
    %mul3A_170 = arith.muli %add3A, %mul3A_169 : i32
    %add3A_171 = arith.constant 1600 : i32
    %add3A_172 = arith.addi %mul3A_170, %add3A_171 : i32
    %dma_start3A_173 = arith.constant 1 : i32
    %dma_start3A_174 = arith.constant 0 : i32
    %dma_start3A_175 = arith.constant 0 : i32
    %dma_start3A_176 = tpu.memref_slice %arg24[%dma_start3A_173, %dma_start3A_174, %dma_start3A_175] : memref<2x1600x32xbf16, #tpu.memory_space<vmem>> -> memref<1x1600x32xbf16, #tpu.memory_space<vmem>>
    %dma_start3A_177 = tpu.memref_squeeze %dma_start3A_176 : memref<1x1600x32xbf16, #tpu.memory_space<vmem>> -> memref<1600x32xbf16, #tpu.memory_space<vmem>>
    %dma_start3A_178 = arith.constant 0 : i32
    %dma_start3A_179 = tpu.memref_slice %arg16[%add3A_172, %dma_start3A_178] : memref<204800x32xbf16, #tpu.memory_space<hbm>> -> memref<1600x32xbf16, #tpu.memory_space<hbm>>
    %dma_start3A_180 = arith.constant 0 : i32
    %dma_start3A_181 = tpu.memref_slice %arg16[%add3A_172, %dma_start3A_180] : memref<204800x32xbf16, #tpu.memory_space<hbm>> -> memref<1600x32xbf16, #tpu.memory_space<hbm>>
    %dma_start3A_182 = arith.constant 0 : i32
    %dma_start3A_183 = arith.constant 0 : i32
    %dma_start3A_184 = tpu.memref_slice %arg24[%dma_start3A_173, %dma_start3A_182, %dma_start3A_183] : memref<2x1600x32xbf16, #tpu.memory_space<vmem>> -> memref<1x1600x32xbf16, #tpu.memory_space<vmem>>
    %dma_start3A_185 = tpu.memref_squeeze %dma_start3A_184 : memref<1x1600x32xbf16, #tpu.memory_space<vmem>> -> memref<1600x32xbf16, #tpu.memory_space<vmem>>
    tpu.enqueue_dma source(%dma_start3A_185 : memref<1600x32xbf16, #tpu.memory_space<vmem>>) target(%dma_start3A_181 : memref<1600x32xbf16, #tpu.memory_space<hbm>>) target_semaphore(%arg31 : memref<!tpu.dma_semaphore, #tpu.memory_space<semaphore_mem>>)
    %dma_wait3A_186 = arith.constant 1 : i32
    %dma_wait3A_187 = arith.constant 0 : i32
    %dma_wait3A_188 = arith.constant 0 : i32
    %dma_wait3A_189 = tpu.memref_slice %arg24[%dma_wait3A_186, %dma_wait3A_187, %dma_wait3A_188] : memref<2x1600x32xbf16, #tpu.memory_space<vmem>> -> memref<1x1600x32xbf16, #tpu.memory_space<vmem>>
    %dma_wait3A_190 = tpu.memref_squeeze %dma_wait3A_189 : memref<1x1600x32xbf16, #tpu.memory_space<vmem>> -> memref<1600x32xbf16, #tpu.memory_space<vmem>>
    %dma_wait3A_191 = arith.constant 0 : i32
    %dma_wait3A_192 = tpu.memref_slice %arg16[%add3A_172, %dma_wait3A_191] : memref<204800x32xbf16, #tpu.memory_space<hbm>> -> memref<1600x32xbf16, #tpu.memory_space<hbm>>
    %dma_wait3A_193 = arith.constant 0 : i32
    %dma_wait3A_194 = tpu.memref_slice %arg16[%add3A_172, %dma_wait3A_193] : memref<204800x32xbf16, #tpu.memory_space<hbm>> -> memref<1600x32xbf16, #tpu.memory_space<hbm>>
    %dma_wait3A_195 = arith.constant 0 : i32
    %dma_wait3A_196 = arith.constant 0 : i32
    %dma_wait3A_197 = tpu.memref_slice %arg24[%dma_wait3A_186, %dma_wait3A_195, %dma_wait3A_196] : memref<2x1600x32xbf16, #tpu.memory_space<vmem>> -> memref<1x1600x32xbf16, #tpu.memory_space<vmem>>
    %dma_wait3A_198 = tpu.memref_squeeze %dma_wait3A_197 : memref<1x1600x32xbf16, #tpu.memory_space<vmem>> -> memref<1600x32xbf16, #tpu.memory_space<vmem>>
    tpu.wait_dma2 semaphore(%arg31 : memref<!tpu.dma_semaphore, #tpu.memory_space<semaphore_mem>>) src(%dma_wait3A_198 : memref<1600x32xbf16, #tpu.memory_space<vmem>>) dst(%dma_wait3A_194 : memref<1600x32xbf16, #tpu.memory_space<hbm>>)
    %dma_start3A_199 = arith.constant 0 : i32
    %dma_start3A_200 = arith.constant 1 : i32
    %dma_start3A_201 = arith.constant 0 : i32
    %dma_start3A_202 = arith.constant 0 : i32
    %dma_start3A_203 = tpu.memref_slice %arg24[%dma_start3A_200, %dma_start3A_201, %dma_start3A_202] : memref<2x1600x32xbf16, #tpu.memory_space<vmem>> -> memref<1x1600x32xbf16, #tpu.memory_space<vmem>>
    %dma_start3A_204 = tpu.memref_squeeze %dma_start3A_203 : memref<1x1600x32xbf16, #tpu.memory_space<vmem>> -> memref<1600x32xbf16, #tpu.memory_space<vmem>>
    %dma_start3A_205 = arith.constant 0 : i32
    %dma_start3A_206 = tpu.memref_slice %arg23[%dma_start3A_199, %dma_start3A_205] : memref<2x6400xi32, #tpu.memory_space<vmem>> -> memref<1x6400xi32, #tpu.memory_space<vmem>>
    %dma_start3A_207 = tpu.memref_squeeze %dma_start3A_206 : memref<1x6400xi32, #tpu.memory_space<vmem>> -> memref<6400xi32, #tpu.memory_space<vmem>>
    %dma_start3A_208 = arith.constant 4800 : i32
    %dma_start3A_209 = tpu.memref_slice %dma_start3A_207[%dma_start3A_208] : memref<6400xi32, #tpu.memory_space<vmem>> -> memref<1600xi32, #tpu.memory_space<vmem>>
    %dma_start3A_210 = arith.constant 0 : i32
    %dma_start3A_211 = arith.constant 0 : i32
    %dma_start3A_212 = tpu.memref_slice %arg2[%dma_start3A_210, %dma_start3A_211] : memref<100000x32xbf16, #tpu.memory_space<hbm>> -> memref<100000x32xbf16, #tpu.memory_space<hbm>>
    tpu.enqueue_indirect_dma source(%dma_start3A_212 : memref<100000x32xbf16, #tpu.memory_space<hbm>>) target(%dma_start3A_204 : memref<1600x32xbf16, #tpu.memory_space<vmem>>) offsets(%dma_start3A_209 : memref<1600xi32, #tpu.memory_space<vmem>>) semaphore(%arg29 : memref<!tpu.dma_semaphore, #tpu.memory_space<semaphore_mem>>)
    %dma_wait3A_213 = arith.constant 0 : i32
    %dma_wait3A_214 = arith.constant 0 : i32
    %dma_wait3A_215 = arith.constant 0 : i32
    %dma_wait3A_216 = arith.constant 0 : i32
    %dma_wait3A_217 = tpu.memref_slice %arg24[%dma_wait3A_214, %dma_wait3A_215, %dma_wait3A_216] : memref<2x1600x32xbf16, #tpu.memory_space<vmem>> -> memref<1x1600x32xbf16, #tpu.memory_space<vmem>>
    %dma_wait3A_218 = tpu.memref_squeeze %dma_wait3A_217 : memref<1x1600x32xbf16, #tpu.memory_space<vmem>> -> memref<1600x32xbf16, #tpu.memory_space<vmem>>
    %dma_wait3A_219 = arith.constant 0 : i32
    %dma_wait3A_220 = tpu.memref_slice %arg23[%dma_wait3A_213, %dma_wait3A_219] : memref<2x6400xi32, #tpu.memory_space<vmem>> -> memref<1x6400xi32, #tpu.memory_space<vmem>>
    %dma_wait3A_221 = tpu.memref_squeeze %dma_wait3A_220 : memref<1x6400xi32, #tpu.memory_space<vmem>> -> memref<6400xi32, #tpu.memory_space<vmem>>
    %dma_wait3A_222 = arith.constant 3200 : i32
    %dma_wait3A_223 = tpu.memref_slice %dma_wait3A_221[%dma_wait3A_222] : memref<6400xi32, #tpu.memory_space<vmem>> -> memref<1600xi32, #tpu.memory_space<vmem>>
    %dma_wait3A_224 = arith.constant 0 : i32
    %dma_wait3A_225 = arith.constant 0 : i32
    %dma_wait3A_226 = tpu.memref_slice %arg2[%dma_wait3A_224, %dma_wait3A_225] : memref<100000x32xbf16, #tpu.memory_space<hbm>> -> memref<100000x32xbf16, #tpu.memory_space<hbm>>
    tpu.wait_indirect_dma semaphore(%arg28 : memref<!tpu.dma_semaphore, #tpu.memory_space<semaphore_mem>>) src(%dma_wait3A_226 : memref<100000x32xbf16, #tpu.memory_space<hbm>>) dst(%dma_wait3A_218 : memref<1600x32xbf16, #tpu.memory_space<vmem>>)
    %mul3A_227 = arith.constant 6400 : i32
    %mul3A_228 = arith.muli %add3A, %mul3A_227 : i32
    %add3A_229 = arith.constant 3200 : i32
    %add3A_230 = arith.addi %mul3A_228, %add3A_229 : i32
    %dma_start3A_231 = arith.constant 0 : i32
    %dma_start3A_232 = arith.constant 0 : i32
    %dma_start3A_233 = arith.constant 0 : i32
    %dma_start3A_234 = tpu.memref_slice %arg24[%dma_start3A_231, %dma_start3A_232, %dma_start3A_233] : memref<2x1600x32xbf16, #tpu.memory_space<vmem>> -> memref<1x1600x32xbf16, #tpu.memory_space<vmem>>
    %dma_start3A_235 = tpu.memref_squeeze %dma_start3A_234 : memref<1x1600x32xbf16, #tpu.memory_space<vmem>> -> memref<1600x32xbf16, #tpu.memory_space<vmem>>
    %dma_start3A_236 = arith.constant 0 : i32
    %dma_start3A_237 = tpu.memref_slice %arg16[%add3A_230, %dma_start3A_236] : memref<204800x32xbf16, #tpu.memory_space<hbm>> -> memref<1600x32xbf16, #tpu.memory_space<hbm>>
    %dma_start3A_238 = arith.constant 0 : i32
    %dma_start3A_239 = tpu.memref_slice %arg16[%add3A_230, %dma_start3A_238] : memref<204800x32xbf16, #tpu.memory_space<hbm>> -> memref<1600x32xbf16, #tpu.memory_space<hbm>>
    %dma_start3A_240 = arith.constant 0 : i32
    %dma_start3A_241 = arith.constant 0 : i32
    %dma_start3A_242 = tpu.memref_slice %arg24[%dma_start3A_231, %dma_start3A_240, %dma_start3A_241] : memref<2x1600x32xbf16, #tpu.memory_space<vmem>> -> memref<1x1600x32xbf16, #tpu.memory_space<vmem>>
    %dma_start3A_243 = tpu.memref_squeeze %dma_start3A_242 : memref<1x1600x32xbf16, #tpu.memory_space<vmem>> -> memref<1600x32xbf16, #tpu.memory_space<vmem>>
    tpu.enqueue_dma source(%dma_start3A_243 : memref<1600x32xbf16, #tpu.memory_space<vmem>>) target(%dma_start3A_239 : memref<1600x32xbf16, #tpu.memory_space<hbm>>) target_semaphore(%arg30 : memref<!tpu.dma_semaphore, #tpu.memory_space<semaphore_mem>>)
    %dma_wait3A_244 = arith.constant 0 : i32
    %dma_wait3A_245 = arith.constant 0 : i32
    %dma_wait3A_246 = arith.constant 0 : i32
    %dma_wait3A_247 = tpu.memref_slice %arg24[%dma_wait3A_244, %dma_wait3A_245, %dma_wait3A_246] : memref<2x1600x32xbf16, #tpu.memory_space<vmem>> -> memref<1x1600x32xbf16, #tpu.memory_space<vmem>>
    %dma_wait3A_248 = tpu.memref_squeeze %dma_wait3A_247 : memref<1x1600x32xbf16, #tpu.memory_space<vmem>> -> memref<1600x32xbf16, #tpu.memory_space<vmem>>
    %dma_wait3A_249 = arith.constant 0 : i32
    %dma_wait3A_250 = tpu.memref_slice %arg16[%add3A_230, %dma_wait3A_249] : memref<204800x32xbf16, #tpu.memory_space<hbm>> -> memref<1600x32xbf16, #tpu.memory_space<hbm>>
    %dma_wait3A_251 = arith.constant 0 : i32
    %dma_wait3A_252 = tpu.memref_slice %arg16[%add3A_230, %dma_wait3A_251] : memref<204800x32xbf16, #tpu.memory_space<hbm>> -> memref<1600x32xbf16, #tpu.memory_space<hbm>>
    %dma_wait3A_253 = arith.constant 0 : i32
    %dma_wait3A_254 = arith.constant 0 : i32
    %dma_wait3A_255 = tpu.memref_slice %arg24[%dma_wait3A_244, %dma_wait3A_253, %dma_wait3A_254] : memref<2x1600x32xbf16, #tpu.memory_space<vmem>> -> memref<1x1600x32xbf16, #tpu.memory_space<vmem>>
    %dma_wait3A_256 = tpu.memref_squeeze %dma_wait3A_255 : memref<1x1600x32xbf16, #tpu.memory_space<vmem>> -> memref<1600x32xbf16, #tpu.memory_space<vmem>>
    tpu.wait_dma2 semaphore(%arg30 : memref<!tpu.dma_semaphore, #tpu.memory_space<semaphore_mem>>) src(%dma_wait3A_256 : memref<1600x32xbf16, #tpu.memory_space<vmem>>) dst(%dma_wait3A_252 : memref<1600x32xbf16, #tpu.memory_space<hbm>>)
    %dma_start3A_257 = arith.constant 1 : i32
    %dma_start3A_258 = arith.constant 0 : i32
    %dma_start3A_259 = arith.constant 0 : i32
    %dma_start3A_260 = arith.constant 0 : i32
    %dma_start3A_261 = tpu.memref_slice %arg24[%dma_start3A_258, %dma_start3A_259, %dma_start3A_260] : memref<2x1600x32xbf16, #tpu.memory_space<vmem>> -> memref<1x1600x32xbf16, #tpu.memory_space<vmem>>
    %dma_start3A_262 = tpu.memref_squeeze %dma_start3A_261 : memref<1x1600x32xbf16, #tpu.memory_space<vmem>> -> memref<1600x32xbf16, #tpu.memory_space<vmem>>
    %dma_start3A_263 = arith.constant 0 : i32
    %dma_start3A_264 = tpu.memref_slice %arg23[%dma_start3A_257, %dma_start3A_263] : memref<2x6400xi32, #tpu.memory_space<vmem>> -> memref<1x6400xi32, #tpu.memory_space<vmem>>
    %dma_start3A_265 = tpu.memref_squeeze %dma_start3A_264 : memref<1x6400xi32, #tpu.memory_space<vmem>> -> memref<6400xi32, #tpu.memory_space<vmem>>
    %dma_start3A_266 = arith.constant 0 : i32
    %dma_start3A_267 = tpu.memref_slice %dma_start3A_265[%dma_start3A_266] : memref<6400xi32, #tpu.memory_space<vmem>> -> memref<1600xi32, #tpu.memory_space<vmem>>
    %dma_start3A_268 = arith.constant 0 : i32
    %dma_start3A_269 = arith.constant 0 : i32
    %dma_start3A_270 = tpu.memref_slice %arg27[%dma_start3A_268, %dma_start3A_269] : memref<1000x32xbf16, #tpu.memory_space<vmem_shared>> -> memref<1000x32xbf16, #tpu.memory_space<vmem_shared>>
    tpu.enqueue_indirect_dma source(%dma_start3A_270 : memref<1000x32xbf16, #tpu.memory_space<vmem_shared>>) target(%dma_start3A_262 : memref<1600x32xbf16, #tpu.memory_space<vmem>>) offsets(%dma_start3A_267 : memref<1600xi32, #tpu.memory_space<vmem>>) semaphore(%arg28 : memref<!tpu.dma_semaphore, #tpu.memory_space<semaphore_mem>>)
    %dma_wait3A_271 = arith.constant 0 : i32
    %dma_wait3A_272 = arith.constant 1 : i32
    %dma_wait3A_273 = arith.constant 0 : i32
    %dma_wait3A_274 = arith.constant 0 : i32
    %dma_wait3A_275 = tpu.memref_slice %arg24[%dma_wait3A_272, %dma_wait3A_273, %dma_wait3A_274] : memref<2x1600x32xbf16, #tpu.memory_space<vmem>> -> memref<1x1600x32xbf16, #tpu.memory_space<vmem>>
    %dma_wait3A_276 = tpu.memref_squeeze %dma_wait3A_275 : memref<1x1600x32xbf16, #tpu.memory_space<vmem>> -> memref<1600x32xbf16, #tpu.memory_space<vmem>>
    %dma_wait3A_277 = arith.constant 0 : i32
    %dma_wait3A_278 = tpu.memref_slice %arg23[%dma_wait3A_271, %dma_wait3A_277] : memref<2x6400xi32, #tpu.memory_space<vmem>> -> memref<1x6400xi32, #tpu.memory_space<vmem>>
    %dma_wait3A_279 = tpu.memref_squeeze %dma_wait3A_278 : memref<1x6400xi32, #tpu.memory_space<vmem>> -> memref<6400xi32, #tpu.memory_space<vmem>>
    %dma_wait3A_280 = arith.constant 4800 : i32
    %dma_wait3A_281 = tpu.memref_slice %dma_wait3A_279[%dma_wait3A_280] : memref<6400xi32, #tpu.memory_space<vmem>> -> memref<1600xi32, #tpu.memory_space<vmem>>
    %dma_wait3A_282 = arith.constant 0 : i32
    %dma_wait3A_283 = arith.constant 0 : i32
    %dma_wait3A_284 = tpu.memref_slice %arg2[%dma_wait3A_282, %dma_wait3A_283] : memref<100000x32xbf16, #tpu.memory_space<hbm>> -> memref<100000x32xbf16, #tpu.memory_space<hbm>>
    tpu.wait_indirect_dma semaphore(%arg29 : memref<!tpu.dma_semaphore, #tpu.memory_space<semaphore_mem>>) src(%dma_wait3A_284 : memref<100000x32xbf16, #tpu.memory_space<hbm>>) dst(%dma_wait3A_276 : memref<1600x32xbf16, #tpu.memory_space<vmem>>)
    %mul3A_285 = arith.constant 6400 : i32
    %mul3A_286 = arith.muli %add3A, %mul3A_285 : i32
    %add3A_287 = arith.constant 4800 : i32
    %add3A_288 = arith.addi %mul3A_286, %add3A_287 : i32
    %dma_start3A_289 = arith.constant 1 : i32
    %dma_start3A_290 = arith.constant 0 : i32
    %dma_start3A_291 = arith.constant 0 : i32
    %dma_start3A_292 = tpu.memref_slice %arg24[%dma_start3A_289, %dma_start3A_290, %dma_start3A_291] : memref<2x1600x32xbf16, #tpu.memory_space<vmem>> -> memref<1x1600x32xbf16, #tpu.memory_space<vmem>>
    %dma_start3A_293 = tpu.memref_squeeze %dma_start3A_292 : memref<1x1600x32xbf16, #tpu.memory_space<vmem>> -> memref<1600x32xbf16, #tpu.memory_space<vmem>>
    %dma_start3A_294 = arith.constant 0 : i32
    %dma_start3A_295 = tpu.memref_slice %arg16[%add3A_288, %dma_start3A_294] : memref<204800x32xbf16, #tpu.memory_space<hbm>> -> memref<1600x32xbf16, #tpu.memory_space<hbm>>
    %dma_start3A_296 = arith.constant 0 : i32
    %dma_start3A_297 = tpu.memref_slice %arg16[%add3A_288, %dma_start3A_296] : memref<204800x32xbf16, #tpu.memory_space<hbm>> -> memref<1600x32xbf16, #tpu.memory_space<hbm>>
    %dma_start3A_298 = arith.constant 0 : i32
    %dma_start3A_299 = arith.constant 0 : i32
    %dma_start3A_300 = tpu.memref_slice %arg24[%dma_start3A_289, %dma_start3A_298, %dma_start3A_299] : memref<2x1600x32xbf16, #tpu.memory_space<vmem>> -> memref<1x1600x32xbf16, #tpu.memory_space<vmem>>
    %dma_start3A_301 = tpu.memref_squeeze %dma_start3A_300 : memref<1x1600x32xbf16, #tpu.memory_space<vmem>> -> memref<1600x32xbf16, #tpu.memory_space<vmem>>
    tpu.enqueue_dma source(%dma_start3A_301 : memref<1600x32xbf16, #tpu.memory_space<vmem>>) target(%dma_start3A_297 : memref<1600x32xbf16, #tpu.memory_space<hbm>>) target_semaphore(%arg31 : memref<!tpu.dma_semaphore, #tpu.memory_space<semaphore_mem>>)
    %dma_wait3A_302 = arith.constant 1 : i32
    %dma_wait3A_303 = arith.constant 0 : i32
    %dma_wait3A_304 = arith.constant 0 : i32
    %dma_wait3A_305 = tpu.memref_slice %arg24[%dma_wait3A_302, %dma_wait3A_303, %dma_wait3A_304] : memref<2x1600x32xbf16, #tpu.memory_space<vmem>> -> memref<1x1600x32xbf16, #tpu.memory_space<vmem>>
    %dma_wait3A_306 = tpu.memref_squeeze %dma_wait3A_305 : memref<1x1600x32xbf16, #tpu.memory_space<vmem>> -> memref<1600x32xbf16, #tpu.memory_space<vmem>>
    %dma_wait3A_307 = arith.constant 0 : i32
    %dma_wait3A_308 = tpu.memref_slice %arg16[%add3A_288, %dma_wait3A_307] : memref<204800x32xbf16, #tpu.memory_space<hbm>> -> memref<1600x32xbf16, #tpu.memory_space<hbm>>
    %dma_wait3A_309 = arith.constant 0 : i32
    %dma_wait3A_310 = tpu.memref_slice %arg16[%add3A_288, %dma_wait3A_309] : memref<204800x32xbf16, #tpu.memory_space<hbm>> -> memref<1600x32xbf16, #tpu.memory_space<hbm>>
    %dma_wait3A_311 = arith.constant 0 : i32
    %dma_wait3A_312 = arith.constant 0 : i32
    %dma_wait3A_313 = tpu.memref_slice %arg24[%dma_wait3A_302, %dma_wait3A_311, %dma_wait3A_312] : memref<2x1600x32xbf16, #tpu.memory_space<vmem>> -> memref<1x1600x32xbf16, #tpu.memory_space<vmem>>
    %dma_wait3A_314 = tpu.memref_squeeze %dma_wait3A_313 : memref<1x1600x32xbf16, #tpu.memory_space<vmem>> -> memref<1600x32xbf16, #tpu.memory_space<vmem>>
    tpu.wait_dma2 semaphore(%arg31 : memref<!tpu.dma_semaphore, #tpu.memory_space<semaphore_mem>>) src(%dma_wait3A_314 : memref<1600x32xbf16, #tpu.memory_space<vmem>>) dst(%dma_wait3A_310 : memref<1600x32xbf16, #tpu.memory_space<hbm>>)
    %dma_start3A_315 = arith.constant 1 : i32
    %dma_start3A_316 = arith.constant 1 : i32
    %dma_start3A_317 = arith.constant 0 : i32
    %dma_start3A_318 = arith.constant 0 : i32
    %dma_start3A_319 = tpu.memref_slice %arg24[%dma_start3A_316, %dma_start3A_317, %dma_start3A_318] : memref<2x1600x32xbf16, #tpu.memory_space<vmem>> -> memref<1x1600x32xbf16, #tpu.memory_space<vmem>>
    %dma_start3A_320 = tpu.memref_squeeze %dma_start3A_319 : memref<1x1600x32xbf16, #tpu.memory_space<vmem>> -> memref<1600x32xbf16, #tpu.memory_space<vmem>>
    %dma_start3A_321 = arith.constant 0 : i32
    %dma_start3A_322 = tpu.memref_slice %arg23[%dma_start3A_315, %dma_start3A_321] : memref<2x6400xi32, #tpu.memory_space<vmem>> -> memref<1x6400xi32, #tpu.memory_space<vmem>>
    %dma_start3A_323 = tpu.memref_squeeze %dma_start3A_322 : memref<1x6400xi32, #tpu.memory_space<vmem>> -> memref<6400xi32, #tpu.memory_space<vmem>>
    %dma_start3A_324 = arith.constant 1600 : i32
    %dma_start3A_325 = tpu.memref_slice %dma_start3A_323[%dma_start3A_324] : memref<6400xi32, #tpu.memory_space<vmem>> -> memref<1600xi32, #tpu.memory_space<vmem>>
    %dma_start3A_326 = arith.constant 0 : i32
    %dma_start3A_327 = arith.constant 0 : i32
    %dma_start3A_328 = tpu.memref_slice %arg27[%dma_start3A_326, %dma_start3A_327] : memref<1000x32xbf16, #tpu.memory_space<vmem_shared>> -> memref<1000x32xbf16, #tpu.memory_space<vmem_shared>>
    tpu.enqueue_indirect_dma source(%dma_start3A_328 : memref<1000x32xbf16, #tpu.memory_space<vmem_shared>>) target(%dma_start3A_320 : memref<1600x32xbf16, #tpu.memory_space<vmem>>) offsets(%dma_start3A_325 : memref<1600xi32, #tpu.memory_space<vmem>>) semaphore(%arg29 : memref<!tpu.dma_semaphore, #tpu.memory_space<semaphore_mem>>)
    %dma_wait3A_329 = arith.constant 1 : i32
    %dma_wait3A_330 = arith.constant 0 : i32
    %dma_wait3A_331 = arith.constant 0 : i32
    %dma_wait3A_332 = arith.constant 0 : i32
    %dma_wait3A_333 = tpu.memref_slice %arg24[%dma_wait3A_330, %dma_wait3A_331, %dma_wait3A_332] : memref<2x1600x32xbf16, #tpu.memory_space<vmem>> -> memref<1x1600x32xbf16, #tpu.memory_space<vmem>>
    %dma_wait3A_334 = tpu.memref_squeeze %dma_wait3A_333 : memref<1x1600x32xbf16, #tpu.memory_space<vmem>> -> memref<1600x32xbf16, #tpu.memory_space<vmem>>
    %dma_wait3A_335 = arith.constant 0 : i32
    %dma_wait3A_336 = tpu.memref_slice %arg23[%dma_wait3A_329, %dma_wait3A_335] : memref<2x6400xi32, #tpu.memory_space<vmem>> -> memref<1x6400xi32, #tpu.memory_space<vmem>>
    %dma_wait3A_337 = tpu.memref_squeeze %dma_wait3A_336 : memref<1x6400xi32, #tpu.memory_space<vmem>> -> memref<6400xi32, #tpu.memory_space<vmem>>
    %dma_wait3A_338 = arith.constant 0 : i32
    %dma_wait3A_339 = tpu.memref_slice %dma_wait3A_337[%dma_wait3A_338] : memref<6400xi32, #tpu.memory_space<vmem>> -> memref<1600xi32, #tpu.memory_space<vmem>>
    %dma_wait3A_340 = arith.constant 0 : i32
    %dma_wait3A_341 = arith.constant 0 : i32
    %dma_wait3A_342 = tpu.memref_slice %arg27[%dma_wait3A_340, %dma_wait3A_341] : memref<1000x32xbf16, #tpu.memory_space<vmem_shared>> -> memref<1000x32xbf16, #tpu.memory_space<vmem_shared>>
    tpu.wait_indirect_dma semaphore(%arg28 : memref<!tpu.dma_semaphore, #tpu.memory_space<semaphore_mem>>) src(%dma_wait3A_342 : memref<1000x32xbf16, #tpu.memory_space<vmem_shared>>) dst(%dma_wait3A_334 : memref<1600x32xbf16, #tpu.memory_space<vmem>>)
    %mul3A_343 = arith.constant 6400 : i32
    %mul3A_344 = arith.muli %add3A, %mul3A_343 : i32
    %add3A_345 = arith.constant 0 : i32
    %add3A_346 = arith.addi %mul3A_344, %add3A_345 : i32
    %dma_start3A_347 = arith.constant 0 : i32
    %dma_start3A_348 = arith.constant 0 : i32
    %dma_start3A_349 = arith.constant 0 : i32
    %dma_start3A_350 = tpu.memref_slice %arg24[%dma_start3A_347, %dma_start3A_348, %dma_start3A_349] : memref<2x1600x32xbf16, #tpu.memory_space<vmem>> -> memref<1x1600x32xbf16, #tpu.memory_space<vmem>>
    %dma_start3A_351 = tpu.memref_squeeze %dma_start3A_350 : memref<1x1600x32xbf16, #tpu.memory_space<vmem>> -> memref<1600x32xbf16, #tpu.memory_space<vmem>>
    %dma_start3A_352 = arith.constant 0 : i32
    %dma_start3A_353 = tpu.memref_slice %arg17[%add3A_346, %dma_start3A_352] : memref<204800x32xbf16, #tpu.memory_space<hbm>> -> memref<1600x32xbf16, #tpu.memory_space<hbm>>
    %dma_start3A_354 = arith.constant 0 : i32
    %dma_start3A_355 = tpu.memref_slice %arg17[%add3A_346, %dma_start3A_354] : memref<204800x32xbf16, #tpu.memory_space<hbm>> -> memref<1600x32xbf16, #tpu.memory_space<hbm>>
    %dma_start3A_356 = arith.constant 0 : i32
    %dma_start3A_357 = arith.constant 0 : i32
    %dma_start3A_358 = tpu.memref_slice %arg24[%dma_start3A_347, %dma_start3A_356, %dma_start3A_357] : memref<2x1600x32xbf16, #tpu.memory_space<vmem>> -> memref<1x1600x32xbf16, #tpu.memory_space<vmem>>
    %dma_start3A_359 = tpu.memref_squeeze %dma_start3A_358 : memref<1x1600x32xbf16, #tpu.memory_space<vmem>> -> memref<1600x32xbf16, #tpu.memory_space<vmem>>
    tpu.enqueue_dma source(%dma_start3A_359 : memref<1600x32xbf16, #tpu.memory_space<vmem>>) target(%dma_start3A_355 : memref<1600x32xbf16, #tpu.memory_space<hbm>>) target_semaphore(%arg30 : memref<!tpu.dma_semaphore, #tpu.memory_space<semaphore_mem>>)
    %dma_wait3A_360 = arith.constant 0 : i32
    %dma_wait3A_361 = arith.constant 0 : i32
    %dma_wait3A_362 = arith.constant 0 : i32
    %dma_wait3A_363 = tpu.memref_slice %arg24[%dma_wait3A_360, %dma_wait3A_361, %dma_wait3A_362] : memref<2x1600x32xbf16, #tpu.memory_space<vmem>> -> memref<1x1600x32xbf16, #tpu.memory_space<vmem>>
    %dma_wait3A_364 = tpu.memref_squeeze %dma_wait3A_363 : memref<1x1600x32xbf16, #tpu.memory_space<vmem>> -> memref<1600x32xbf16, #tpu.memory_space<vmem>>
    %dma_wait3A_365 = arith.constant 0 : i32
    %dma_wait3A_366 = tpu.memref_slice %arg17[%add3A_346, %dma_wait3A_365] : memref<204800x32xbf16, #tpu.memory_space<hbm>> -> memref<1600x32xbf16, #tpu.memory_space<hbm>>
    %dma_wait3A_367 = arith.constant 0 : i32
    %dma_wait3A_368 = tpu.memref_slice %arg17[%add3A_346, %dma_wait3A_367] : memref<204800x32xbf16, #tpu.memory_space<hbm>> -> memref<1600x32xbf16, #tpu.memory_space<hbm>>
    %dma_wait3A_369 = arith.constant 0 : i32
    %dma_wait3A_370 = arith.constant 0 : i32
    %dma_wait3A_371 = tpu.memref_slice %arg24[%dma_wait3A_360, %dma_wait3A_369, %dma_wait3A_370] : memref<2x1600x32xbf16, #tpu.memory_space<vmem>> -> memref<1x1600x32xbf16, #tpu.memory_space<vmem>>
    %dma_wait3A_372 = tpu.memref_squeeze %dma_wait3A_371 : memref<1x1600x32xbf16, #tpu.memory_space<vmem>> -> memref<1600x32xbf16, #tpu.memory_space<vmem>>
    tpu.wait_dma2 semaphore(%arg30 : memref<!tpu.dma_semaphore, #tpu.memory_space<semaphore_mem>>) src(%dma_wait3A_372 : memref<1600x32xbf16, #tpu.memory_space<vmem>>) dst(%dma_wait3A_368 : memref<1600x32xbf16, #tpu.memory_space<hbm>>)
    %dma_start3A_373 = arith.constant 1 : i32
    %dma_start3A_374 = arith.constant 0 : i32
    %dma_start3A_375 = arith.constant 0 : i32
    %dma_start3A_376 = arith.constant 0 : i32
    %dma_start3A_377 = tpu.memref_slice %arg24[%dma_start3A_374, %dma_start3A_375, %dma_start3A_376] : memref<2x1600x32xbf16, #tpu.memory_space<vmem>> -> memref<1x1600x32xbf16, #tpu.memory_space<vmem>>
    %dma_start3A_378 = tpu.memref_squeeze %dma_start3A_377 : memref<1x1600x32xbf16, #tpu.memory_space<vmem>> -> memref<1600x32xbf16, #tpu.memory_space<vmem>>
    %dma_start3A_379 = arith.constant 0 : i32
    %dma_start3A_380 = tpu.memref_slice %arg23[%dma_start3A_373, %dma_start3A_379] : memref<2x6400xi32, #tpu.memory_space<vmem>> -> memref<1x6400xi32, #tpu.memory_space<vmem>>
    %dma_start3A_381 = tpu.memref_squeeze %dma_start3A_380 : memref<1x6400xi32, #tpu.memory_space<vmem>> -> memref<6400xi32, #tpu.memory_space<vmem>>
    %dma_start3A_382 = arith.constant 3200 : i32
    %dma_start3A_383 = tpu.memref_slice %dma_start3A_381[%dma_start3A_382] : memref<6400xi32, #tpu.memory_space<vmem>> -> memref<1600xi32, #tpu.memory_space<vmem>>
    %dma_start3A_384 = arith.constant 0 : i32
    %dma_start3A_385 = arith.constant 0 : i32
    %dma_start3A_386 = tpu.memref_slice %arg27[%dma_start3A_384, %dma_start3A_385] : memref<1000x32xbf16, #tpu.memory_space<vmem_shared>> -> memref<1000x32xbf16, #tpu.memory_space<vmem_shared>>
    tpu.enqueue_indirect_dma source(%dma_start3A_386 : memref<1000x32xbf16, #tpu.memory_space<vmem_shared>>) target(%dma_start3A_378 : memref<1600x32xbf16, #tpu.memory_space<vmem>>) offsets(%dma_start3A_383 : memref<1600xi32, #tpu.memory_space<vmem>>) semaphore(%arg28 : memref<!tpu.dma_semaphore, #tpu.memory_space<semaphore_mem>>)
    %dma_wait3A_387 = arith.constant 1 : i32
    %dma_wait3A_388 = arith.constant 1 : i32
    %dma_wait3A_389 = arith.constant 0 : i32
    %dma_wait3A_390 = arith.constant 0 : i32
    %dma_wait3A_391 = tpu.memref_slice %arg24[%dma_wait3A_388, %dma_wait3A_389, %dma_wait3A_390] : memref<2x1600x32xbf16, #tpu.memory_space<vmem>> -> memref<1x1600x32xbf16, #tpu.memory_space<vmem>>
    %dma_wait3A_392 = tpu.memref_squeeze %dma_wait3A_391 : memref<1x1600x32xbf16, #tpu.memory_space<vmem>> -> memref<1600x32xbf16, #tpu.memory_space<vmem>>
    %dma_wait3A_393 = arith.constant 0 : i32
    %dma_wait3A_394 = tpu.memref_slice %arg23[%dma_wait3A_387, %dma_wait3A_393] : memref<2x6400xi32, #tpu.memory_space<vmem>> -> memref<1x6400xi32, #tpu.memory_space<vmem>>
    %dma_wait3A_395 = tpu.memref_squeeze %dma_wait3A_394 : memref<1x6400xi32, #tpu.memory_space<vmem>> -> memref<6400xi32, #tpu.memory_space<vmem>>
    %dma_wait3A_396 = arith.constant 1600 : i32
    %dma_wait3A_397 = tpu.memref_slice %dma_wait3A_395[%dma_wait3A_396] : memref<6400xi32, #tpu.memory_space<vmem>> -> memref<1600xi32, #tpu.memory_space<vmem>>
    %dma_wait3A_398 = arith.constant 0 : i32
    %dma_wait3A_399 = arith.constant 0 : i32
    %dma_wait3A_400 = tpu.memref_slice %arg27[%dma_wait3A_398, %dma_wait3A_399] : memref<1000x32xbf16, #tpu.memory_space<vmem_shared>> -> memref<1000x32xbf16, #tpu.memory_space<vmem_shared>>
    tpu.wait_indirect_dma semaphore(%arg29 : memref<!tpu.dma_semaphore, #tpu.memory_space<semaphore_mem>>) src(%dma_wait3A_400 : memref<1000x32xbf16, #tpu.memory_space<vmem_shared>>) dst(%dma_wait3A_392 : memref<1600x32xbf16, #tpu.memory_space<vmem>>)
    %mul3A_401 = arith.constant 6400 : i32
    %mul3A_402 = arith.muli %add3A, %mul3A_401 : i32
    %add3A_403 = arith.constant 1600 : i32
    %add3A_404 = arith.addi %mul3A_402, %add3A_403 : i32
    %dma_start3A_405 = arith.constant 1 : i32
    %dma_start3A_406 = arith.constant 0 : i32
    %dma_start3A_407 = arith.constant 0 : i32
    %dma_start3A_408 = tpu.memref_slice %arg24[%dma_start3A_405, %dma_start3A_406, %dma_start3A_407] : memref<2x1600x32xbf16, #tpu.memory_space<vmem>> -> memref<1x1600x32xbf16, #tpu.memory_space<vmem>>
    %dma_start3A_409 = tpu.memref_squeeze %dma_start3A_408 : memref<1x1600x32xbf16, #tpu.memory_space<vmem>> -> memref<1600x32xbf16, #tpu.memory_space<vmem>>
    %dma_start3A_410 = arith.constant 0 : i32
    %dma_start3A_411 = tpu.memref_slice %arg17[%add3A_404, %dma_start3A_410] : memref<204800x32xbf16, #tpu.memory_space<hbm>> -> memref<1600x32xbf16, #tpu.memory_space<hbm>>
    %dma_start3A_412 = arith.constant 0 : i32
    %dma_start3A_413 = tpu.memref_slice %arg17[%add3A_404, %dma_start3A_412] : memref<204800x32xbf16, #tpu.memory_space<hbm>> -> memref<1600x32xbf16, #tpu.memory_space<hbm>>
    %dma_start3A_414 = arith.constant 0 : i32
    %dma_start3A_415 = arith.constant 0 : i32
    %dma_start3A_416 = tpu.memref_slice %arg24[%dma_start3A_405, %dma_start3A_414, %dma_start3A_415] : memref<2x1600x32xbf16, #tpu.memory_space<vmem>> -> memref<1x1600x32xbf16, #tpu.memory_space<vmem>>
    %dma_start3A_417 = tpu.memref_squeeze %dma_start3A_416 : memref<1x1600x32xbf16, #tpu.memory_space<vmem>> -> memref<1600x32xbf16, #tpu.memory_space<vmem>>
    tpu.enqueue_dma source(%dma_start3A_417 : memref<1600x32xbf16, #tpu.memory_space<vmem>>) target(%dma_start3A_413 : memref<1600x32xbf16, #tpu.memory_space<hbm>>) target_semaphore(%arg31 : memref<!tpu.dma_semaphore, #tpu.memory_space<semaphore_mem>>)
    %dma_wait3A_418 = arith.constant 1 : i32
    %dma_wait3A_419 = arith.constant 0 : i32
    %dma_wait3A_420 = arith.constant 0 : i32
    %dma_wait3A_421 = tpu.memref_slice %arg24[%dma_wait3A_418, %dma_wait3A_419, %dma_wait3A_420] : memref<2x1600x32xbf16, #tpu.memory_space<vmem>> -> memref<1x1600x32xbf16, #tpu.memory_space<vmem>>
    %dma_wait3A_422 = tpu.memref_squeeze %dma_wait3A_421 : memref<1x1600x32xbf16, #tpu.memory_space<vmem>> -> memref<1600x32xbf16, #tpu.memory_space<vmem>>
    %dma_wait3A_423 = arith.constant 0 : i32
    %dma_wait3A_424 = tpu.memref_slice %arg17[%add3A_404, %dma_wait3A_423] : memref<204800x32xbf16, #tpu.memory_space<hbm>> -> memref<1600x32xbf16, #tpu.memory_space<hbm>>
    %dma_wait3A_425 = arith.constant 0 : i32
    %dma_wait3A_426 = tpu.memref_slice %arg17[%add3A_404, %dma_wait3A_425] : memref<204800x32xbf16, #tpu.memory_space<hbm>> -> memref<1600x32xbf16, #tpu.memory_space<hbm>>
    %dma_wait3A_427 = arith.constant 0 : i32
    %dma_wait3A_428 = arith.constant 0 : i32
    %dma_wait3A_429 = tpu.memref_slice %arg24[%dma_wait3A_418, %dma_wait3A_427, %dma_wait3A_428] : memref<2x1600x32xbf16, #tpu.memory_space<vmem>> -> memref<1x1600x32xbf16, #tpu.memory_space<vmem>>
    %dma_wait3A_430 = tpu.memref_squeeze %dma_wait3A_429 : memref<1x1600x32xbf16, #tpu.memory_space<vmem>> -> memref<1600x32xbf16, #tpu.memory_space<vmem>>
    tpu.wait_dma2 semaphore(%arg31 : memref<!tpu.dma_semaphore, #tpu.memory_space<semaphore_mem>>) src(%dma_wait3A_430 : memref<1600x32xbf16, #tpu.memory_space<vmem>>) dst(%dma_wait3A_426 : memref<1600x32xbf16, #tpu.memory_space<hbm>>)
    %dma_start3A_431 = arith.constant 1 : i32
    %dma_start3A_432 = arith.constant 1 : i32
    %dma_start3A_433 = arith.constant 0 : i32
    %dma_start3A_434 = arith.constant 0 : i32
    %dma_start3A_435 = tpu.memref_slice %arg24[%dma_start3A_432, %dma_start3A_433, %dma_start3A_434] : memref<2x1600x32xbf16, #tpu.memory_space<vmem>> -> memref<1x1600x32xbf16, #tpu.memory_space<vmem>>
    %dma_start3A_436 = tpu.memref_squeeze %dma_start3A_435 : memref<1x1600x32xbf16, #tpu.memory_space<vmem>> -> memref<1600x32xbf16, #tpu.memory_space<vmem>>
    %dma_start3A_437 = arith.constant 0 : i32
    %dma_start3A_438 = tpu.memref_slice %arg23[%dma_start3A_431, %dma_start3A_437] : memref<2x6400xi32, #tpu.memory_space<vmem>> -> memref<1x6400xi32, #tpu.memory_space<vmem>>
    %dma_start3A_439 = tpu.memref_squeeze %dma_start3A_438 : memref<1x6400xi32, #tpu.memory_space<vmem>> -> memref<6400xi32, #tpu.memory_space<vmem>>
    %dma_start3A_440 = arith.constant 4800 : i32
    %dma_start3A_441 = tpu.memref_slice %dma_start3A_439[%dma_start3A_440] : memref<6400xi32, #tpu.memory_space<vmem>> -> memref<1600xi32, #tpu.memory_space<vmem>>
    %dma_start3A_442 = arith.constant 0 : i32
    %dma_start3A_443 = arith.constant 0 : i32
    %dma_start3A_444 = tpu.memref_slice %arg27[%dma_start3A_442, %dma_start3A_443] : memref<1000x32xbf16, #tpu.memory_space<vmem_shared>> -> memref<1000x32xbf16, #tpu.memory_space<vmem_shared>>
    tpu.enqueue_indirect_dma source(%dma_start3A_444 : memref<1000x32xbf16, #tpu.memory_space<vmem_shared>>) target(%dma_start3A_436 : memref<1600x32xbf16, #tpu.memory_space<vmem>>) offsets(%dma_start3A_441 : memref<1600xi32, #tpu.memory_space<vmem>>) semaphore(%arg29 : memref<!tpu.dma_semaphore, #tpu.memory_space<semaphore_mem>>)
    %dma_wait3A_445 = arith.constant 1 : i32
    %dma_wait3A_446 = arith.constant 0 : i32
    %dma_wait3A_447 = arith.constant 0 : i32
    %dma_wait3A_448 = arith.constant 0 : i32
    %dma_wait3A_449 = tpu.memref_slice %arg24[%dma_wait3A_446, %dma_wait3A_447, %dma_wait3A_448] : memref<2x1600x32xbf16, #tpu.memory_space<vmem>> -> memref<1x1600x32xbf16, #tpu.memory_space<vmem>>
    %dma_wait3A_450 = tpu.memref_squeeze %dma_wait3A_449 : memref<1x1600x32xbf16, #tpu.memory_space<vmem>> -> memref<1600x32xbf16, #tpu.memory_space<vmem>>
    %dma_wait3A_451 = arith.constant 0 : i32
    %dma_wait3A_452 = tpu.memref_slice %arg23[%dma_wait3A_445, %dma_wait3A_451] : memref<2x6400xi32, #tpu.memory_space<vmem>> -> memref<1x6400xi32, #tpu.memory_space<vmem>>
    %dma_wait3A_453 = tpu.memref_squeeze %dma_wait3A_452 : memref<1x6400xi32, #tpu.memory_space<vmem>> -> memref<6400xi32, #tpu.memory_space<vmem>>
    %dma_wait3A_454 = arith.constant 3200 : i32
    %dma_wait3A_455 = tpu.memref_slice %dma_wait3A_453[%dma_wait3A_454] : memref<6400xi32, #tpu.memory_space<vmem>> -> memref<1600xi32, #tpu.memory_space<vmem>>
    %dma_wait3A_456 = arith.constant 0 : i32
    %dma_wait3A_457 = arith.constant 0 : i32
    %dma_wait3A_458 = tpu.memref_slice %arg27[%dma_wait3A_456, %dma_wait3A_457] : memref<1000x32xbf16, #tpu.memory_space<vmem_shared>> -> memref<1000x32xbf16, #tpu.memory_space<vmem_shared>>
    tpu.wait_indirect_dma semaphore(%arg28 : memref<!tpu.dma_semaphore, #tpu.memory_space<semaphore_mem>>) src(%dma_wait3A_458 : memref<1000x32xbf16, #tpu.memory_space<vmem_shared>>) dst(%dma_wait3A_450 : memref<1600x32xbf16, #tpu.memory_space<vmem>>)
    %mul3A_459 = arith.constant 6400 : i32
    %mul3A_460 = arith.muli %add3A, %mul3A_459 : i32
    %add3A_461 = arith.constant 3200 : i32
    %add3A_462 = arith.addi %mul3A_460, %add3A_461 : i32
    %dma_start3A_463 = arith.constant 0 : i32
    %dma_start3A_464 = arith.constant 0 : i32
    %dma_start3A_465 = arith.constant 0 : i32
    %dma_start3A_466 = tpu.memref_slice %arg24[%dma_start3A_463, %dma_start3A_464, %dma_start3A_465] : memref<2x1600x32xbf16, #tpu.memory_space<vmem>> -> memref<1x1600x32xbf16, #tpu.memory_space<vmem>>
    %dma_start3A_467 = tpu.memref_squeeze %dma_start3A_466 : memref<1x1600x32xbf16, #tpu.memory_space<vmem>> -> memref<1600x32xbf16, #tpu.memory_space<vmem>>
    %dma_start3A_468 = arith.constant 0 : i32
    %dma_start3A_469 = tpu.memref_slice %arg17[%add3A_462, %dma_start3A_468] : memref<204800x32xbf16, #tpu.memory_space<hbm>> -> memref<1600x32xbf16, #tpu.memory_space<hbm>>
    %dma_start3A_470 = arith.constant 0 : i32
    %dma_start3A_471 = tpu.memref_slice %arg17[%add3A_462, %dma_start3A_470] : memref<204800x32xbf16, #tpu.memory_space<hbm>> -> memref<1600x32xbf16, #tpu.memory_space<hbm>>
    %dma_start3A_472 = arith.constant 0 : i32
    %dma_start3A_473 = arith.constant 0 : i32
    %dma_start3A_474 = tpu.memref_slice %arg24[%dma_start3A_463, %dma_start3A_472, %dma_start3A_473] : memref<2x1600x32xbf16, #tpu.memory_space<vmem>> -> memref<1x1600x32xbf16, #tpu.memory_space<vmem>>
    %dma_start3A_475 = tpu.memref_squeeze %dma_start3A_474 : memref<1x1600x32xbf16, #tpu.memory_space<vmem>> -> memref<1600x32xbf16, #tpu.memory_space<vmem>>
    tpu.enqueue_dma source(%dma_start3A_475 : memref<1600x32xbf16, #tpu.memory_space<vmem>>) target(%dma_start3A_471 : memref<1600x32xbf16, #tpu.memory_space<hbm>>) target_semaphore(%arg30 : memref<!tpu.dma_semaphore, #tpu.memory_space<semaphore_mem>>)
    %dma_wait3A_476 = arith.constant 1 : i32
    %dma_wait3A_477 = arith.constant 1 : i32
    %dma_wait3A_478 = arith.constant 0 : i32
    %dma_wait3A_479 = arith.constant 0 : i32
    %dma_wait3A_480 = tpu.memref_slice %arg24[%dma_wait3A_477, %dma_wait3A_478, %dma_wait3A_479] : memref<2x1600x32xbf16, #tpu.memory_space<vmem>> -> memref<1x1600x32xbf16, #tpu.memory_space<vmem>>
    %dma_wait3A_481 = tpu.memref_squeeze %dma_wait3A_480 : memref<1x1600x32xbf16, #tpu.memory_space<vmem>> -> memref<1600x32xbf16, #tpu.memory_space<vmem>>
    %dma_wait3A_482 = arith.constant 0 : i32
    %dma_wait3A_483 = tpu.memref_slice %arg23[%dma_wait3A_476, %dma_wait3A_482] : memref<2x6400xi32, #tpu.memory_space<vmem>> -> memref<1x6400xi32, #tpu.memory_space<vmem>>
    %dma_wait3A_484 = tpu.memref_squeeze %dma_wait3A_483 : memref<1x6400xi32, #tpu.memory_space<vmem>> -> memref<6400xi32, #tpu.memory_space<vmem>>
    %dma_wait3A_485 = arith.constant 4800 : i32
    %dma_wait3A_486 = tpu.memref_slice %dma_wait3A_484[%dma_wait3A_485] : memref<6400xi32, #tpu.memory_space<vmem>> -> memref<1600xi32, #tpu.memory_space<vmem>>
    %dma_wait3A_487 = arith.constant 0 : i32
    %dma_wait3A_488 = arith.constant 0 : i32
    %dma_wait3A_489 = tpu.memref_slice %arg27[%dma_wait3A_487, %dma_wait3A_488] : memref<1000x32xbf16, #tpu.memory_space<vmem_shared>> -> memref<1000x32xbf16, #tpu.memory_space<vmem_shared>>
    tpu.wait_indirect_dma semaphore(%arg29 : memref<!tpu.dma_semaphore, #tpu.memory_space<semaphore_mem>>) src(%dma_wait3A_489 : memref<1000x32xbf16, #tpu.memory_space<vmem_shared>>) dst(%dma_wait3A_481 : memref<1600x32xbf16, #tpu.memory_space<vmem>>)
    %mul3A_490 = arith.constant 6400 : i32
    %mul3A_491 = arith.muli %add3A, %mul3A_490 : i32
    %add3A_492 = arith.constant 4800 : i32
    %add3A_493 = arith.addi %mul3A_491, %add3A_492 : i32
    %dma_start3A_494 = arith.constant 1 : i32
    %dma_start3A_495 = arith.constant 0 : i32
    %dma_start3A_496 = arith.constant 0 : i32
    %dma_start3A_497 = tpu.memref_slice %arg24[%dma_start3A_494, %dma_start3A_495, %dma_start3A_496] : memref<2x1600x32xbf16, #tpu.memory_space<vmem>> -> memref<1x1600x32xbf16, #tpu.memory_space<vmem>>
    %dma_start3A_498 = tpu.memref_squeeze %dma_start3A_497 : memref<1x1600x32xbf16, #tpu.memory_space<vmem>> -> memref<1600x32xbf16, #tpu.memory_space<vmem>>
    %dma_start3A_499 = arith.constant 0 : i32
    %dma_start3A_500 = tpu.memref_slice %arg17[%add3A_493, %dma_start3A_499] : memref<204800x32xbf16, #tpu.memory_space<hbm>> -> memref<1600x32xbf16, #tpu.memory_space<hbm>>
    %dma_start3A_501 = arith.constant 0 : i32
    %dma_start3A_502 = tpu.memref_slice %arg17[%add3A_493, %dma_start3A_501] : memref<204800x32xbf16, #tpu.memory_space<hbm>> -> memref<1600x32xbf16, #tpu.memory_space<hbm>>
    %dma_start3A_503 = arith.constant 0 : i32
    %dma_start3A_504 = arith.constant 0 : i32
    %dma_start3A_505 = tpu.memref_slice %arg24[%dma_start3A_494, %dma_start3A_503, %dma_start3A_504] : memref<2x1600x32xbf16, #tpu.memory_space<vmem>> -> memref<1x1600x32xbf16, #tpu.memory_space<vmem>>
    %dma_start3A_506 = tpu.memref_squeeze %dma_start3A_505 : memref<1x1600x32xbf16, #tpu.memory_space<vmem>> -> memref<1600x32xbf16, #tpu.memory_space<vmem>>
    tpu.enqueue_dma source(%dma_start3A_506 : memref<1600x32xbf16, #tpu.memory_space<vmem>>) target(%dma_start3A_502 : memref<1600x32xbf16, #tpu.memory_space<hbm>>) target_semaphore(%arg31 : memref<!tpu.dma_semaphore, #tpu.memory_space<semaphore_mem>>)
    %dma_wait3A_507 = arith.constant 0 : i32
    %dma_wait3A_508 = arith.constant 0 : i32
    %dma_wait3A_509 = arith.constant 0 : i32
    %dma_wait3A_510 = tpu.memref_slice %arg24[%dma_wait3A_507, %dma_wait3A_508, %dma_wait3A_509] : memref<2x1600x32xbf16, #tpu.memory_space<vmem>> -> memref<1x1600x32xbf16, #tpu.memory_space<vmem>>
    %dma_wait3A_511 = tpu.memref_squeeze %dma_wait3A_510 : memref<1x1600x32xbf16, #tpu.memory_space<vmem>> -> memref<1600x32xbf16, #tpu.memory_space<vmem>>
    %dma_wait3A_512 = arith.constant 0 : i32
    %dma_wait3A_513 = tpu.memref_slice %arg17[%add3A_462, %dma_wait3A_512] : memref<204800x32xbf16, #tpu.memory_space<hbm>> -> memref<1600x32xbf16, #tpu.memory_space<hbm>>
    %dma_wait3A_514 = arith.constant 0 : i32
    %dma_wait3A_515 = tpu.memref_slice %arg17[%add3A_462, %dma_wait3A_514] : memref<204800x32xbf16, #tpu.memory_space<hbm>> -> memref<1600x32xbf16, #tpu.memory_space<hbm>>
    %dma_wait3A_516 = arith.constant 0 : i32
    %dma_wait3A_517 = arith.constant 0 : i32
    %dma_wait3A_518 = tpu.memref_slice %arg24[%dma_wait3A_507, %dma_wait3A_516, %dma_wait3A_517] : memref<2x1600x32xbf16, #tpu.memory_space<vmem>> -> memref<1x1600x32xbf16, #tpu.memory_space<vmem>>
    %dma_wait3A_519 = tpu.memref_squeeze %dma_wait3A_518 : memref<1x1600x32xbf16, #tpu.memory_space<vmem>> -> memref<1600x32xbf16, #tpu.memory_space<vmem>>
    tpu.wait_dma2 semaphore(%arg30 : memref<!tpu.dma_semaphore, #tpu.memory_space<semaphore_mem>>) src(%dma_wait3A_519 : memref<1600x32xbf16, #tpu.memory_space<vmem>>) dst(%dma_wait3A_515 : memref<1600x32xbf16, #tpu.memory_space<hbm>>)
    %dma_wait3A_520 = arith.constant 1 : i32
    %dma_wait3A_521 = arith.constant 0 : i32
    %dma_wait3A_522 = arith.constant 0 : i32
    %dma_wait3A_523 = tpu.memref_slice %arg24[%dma_wait3A_520, %dma_wait3A_521, %dma_wait3A_522] : memref<2x1600x32xbf16, #tpu.memory_space<vmem>> -> memref<1x1600x32xbf16, #tpu.memory_space<vmem>>
    %dma_wait3A_524 = tpu.memref_squeeze %dma_wait3A_523 : memref<1x1600x32xbf16, #tpu.memory_space<vmem>> -> memref<1600x32xbf16, #tpu.memory_space<vmem>>
    %dma_wait3A_525 = arith.constant 0 : i32
    %dma_wait3A_526 = tpu.memref_slice %arg17[%add3A_493, %dma_wait3A_525] : memref<204800x32xbf16, #tpu.memory_space<hbm>> -> memref<1600x32xbf16, #tpu.memory_space<hbm>>
    %dma_wait3A_527 = arith.constant 0 : i32
    %dma_wait3A_528 = tpu.memref_slice %arg17[%add3A_493, %dma_wait3A_527] : memref<204800x32xbf16, #tpu.memory_space<hbm>> -> memref<1600x32xbf16, #tpu.memory_space<hbm>>
    %dma_wait3A_529 = arith.constant 0 : i32
    %dma_wait3A_530 = arith.constant 0 : i32
    %dma_wait3A_531 = tpu.memref_slice %arg24[%dma_wait3A_520, %dma_wait3A_529, %dma_wait3A_530] : memref<2x1600x32xbf16, #tpu.memory_space<vmem>> -> memref<1x1600x32xbf16, #tpu.memory_space<vmem>>
    %dma_wait3A_532 = tpu.memref_squeeze %dma_wait3A_531 : memref<1x1600x32xbf16, #tpu.memory_space<vmem>> -> memref<1600x32xbf16, #tpu.memory_space<vmem>>
    tpu.wait_dma2 semaphore(%arg31 : memref<!tpu.dma_semaphore, #tpu.memory_space<semaphore_mem>>) src(%dma_wait3A_532 : memref<1600x32xbf16, #tpu.memory_space<vmem>>) dst(%dma_wait3A_528 : memref<1600x32xbf16, #tpu.memory_space<hbm>>)
    %dma_wait3A_533 = arith.constant 0 : i32
    %dma_wait3A_534 = arith.constant 0 : i32
    %dma_wait3A_535 = arith.constant 0 : i32
    %dma_wait3A_536 = arith.constant 0 : i32
    %dma_wait3A_537 = tpu.memref_slice %arg26[%dma_wait3A_534, %dma_wait3A_535, %dma_wait3A_536] : memref<5x128x32xf32, #tpu.memory_space<vmem>> -> memref<1x128x32xf32, #tpu.memory_space<vmem>>
    %dma_wait3A_538 = tpu.memref_squeeze %dma_wait3A_537 : memref<1x128x32xf32, #tpu.memory_space<vmem>> -> memref<128x32xf32, #tpu.memory_space<vmem>>
    %dma_wait3A_539 = arith.constant 0 : i32
    %dma_wait3A_540 = tpu.memref_slice %arg25[%dma_wait3A_533, %dma_wait3A_539] : memref<5x128xi32, #tpu.memory_space<vmem>> -> memref<1x128xi32, #tpu.memory_space<vmem>>
    %dma_wait3A_541 = tpu.memref_squeeze %dma_wait3A_540 : memref<1x128xi32, #tpu.memory_space<vmem>> -> memref<128xi32, #tpu.memory_space<vmem>>
    %dma_wait3A_542 = arith.constant 0 : i32
    %dma_wait3A_543 = arith.constant 0 : i32
    %dma_wait3A_544 = tpu.memref_slice %arg4[%dma_wait3A_542, %dma_wait3A_543] : memref<100000x32xf32, #tpu.memory_space<hbm>> -> memref<100000x32xf32, #tpu.memory_space<hbm>>
    tpu.wait_indirect_dma semaphore(%arg32 : memref<!tpu.dma_semaphore, #tpu.memory_space<semaphore_mem>>) src(%dma_wait3A_544 : memref<100000x32xf32, #tpu.memory_space<hbm>>) dst(%dma_wait3A_538 : memref<128x32xf32, #tpu.memory_space<vmem>>)
    %dma_wait3A_545 = arith.constant 1 : i32
    %dma_wait3A_546 = arith.constant 1 : i32
    %dma_wait3A_547 = arith.constant 0 : i32
    %dma_wait3A_548 = arith.constant 0 : i32
    %dma_wait3A_549 = tpu.memref_slice %arg26[%dma_wait3A_546, %dma_wait3A_547, %dma_wait3A_548] : memref<5x128x32xf32, #tpu.memory_space<vmem>> -> memref<1x128x32xf32, #tpu.memory_space<vmem>>
    %dma_wait3A_550 = tpu.memref_squeeze %dma_wait3A_549 : memref<1x128x32xf32, #tpu.memory_space<vmem>> -> memref<128x32xf32, #tpu.memory_space<vmem>>
    %dma_wait3A_551 = arith.constant 0 : i32
    %dma_wait3A_552 = tpu.memref_slice %arg25[%dma_wait3A_545, %dma_wait3A_551] : memref<5x128xi32, #tpu.memory_space<vmem>> -> memref<1x128xi32, #tpu.memory_space<vmem>>
    %dma_wait3A_553 = tpu.memref_squeeze %dma_wait3A_552 : memref<1x128xi32, #tpu.memory_space<vmem>> -> memref<128xi32, #tpu.memory_space<vmem>>
    %dma_wait3A_554 = arith.constant 0 : i32
    %dma_wait3A_555 = arith.constant 0 : i32
    %dma_wait3A_556 = tpu.memref_slice %arg5[%dma_wait3A_554, %dma_wait3A_555] : memref<100x32xf32, #tpu.memory_space<hbm>> -> memref<100x32xf32, #tpu.memory_space<hbm>>
    tpu.wait_indirect_dma semaphore(%arg32 : memref<!tpu.dma_semaphore, #tpu.memory_space<semaphore_mem>>) src(%dma_wait3A_556 : memref<100x32xf32, #tpu.memory_space<hbm>>) dst(%dma_wait3A_550 : memref<128x32xf32, #tpu.memory_space<vmem>>)
    %dma_wait3A_557 = arith.constant 2 : i32
    %dma_wait3A_558 = arith.constant 2 : i32
    %dma_wait3A_559 = arith.constant 0 : i32
    %dma_wait3A_560 = arith.constant 0 : i32
    %dma_wait3A_561 = tpu.memref_slice %arg26[%dma_wait3A_558, %dma_wait3A_559, %dma_wait3A_560] : memref<5x128x32xf32, #tpu.memory_space<vmem>> -> memref<1x128x32xf32, #tpu.memory_space<vmem>>
    %dma_wait3A_562 = tpu.memref_squeeze %dma_wait3A_561 : memref<1x128x32xf32, #tpu.memory_space<vmem>> -> memref<128x32xf32, #tpu.memory_space<vmem>>
    %dma_wait3A_563 = arith.constant 0 : i32
    %dma_wait3A_564 = tpu.memref_slice %arg25[%dma_wait3A_557, %dma_wait3A_563] : memref<5x128xi32, #tpu.memory_space<vmem>> -> memref<1x128xi32, #tpu.memory_space<vmem>>
    %dma_wait3A_565 = tpu.memref_squeeze %dma_wait3A_564 : memref<1x128xi32, #tpu.memory_space<vmem>> -> memref<128xi32, #tpu.memory_space<vmem>>
    %dma_wait3A_566 = arith.constant 0 : i32
    %dma_wait3A_567 = arith.constant 0 : i32
    %dma_wait3A_568 = tpu.memref_slice %arg6[%dma_wait3A_566, %dma_wait3A_567] : memref<4x32xf32, #tpu.memory_space<hbm>> -> memref<4x32xf32, #tpu.memory_space<hbm>>
    tpu.wait_indirect_dma semaphore(%arg32 : memref<!tpu.dma_semaphore, #tpu.memory_space<semaphore_mem>>) src(%dma_wait3A_568 : memref<4x32xf32, #tpu.memory_space<hbm>>) dst(%dma_wait3A_562 : memref<128x32xf32, #tpu.memory_space<vmem>>)
    %dma_wait3A_569 = arith.constant 3 : i32
    %dma_wait3A_570 = arith.constant 3 : i32
    %dma_wait3A_571 = arith.constant 0 : i32
    %dma_wait3A_572 = arith.constant 0 : i32
    %dma_wait3A_573 = tpu.memref_slice %arg26[%dma_wait3A_570, %dma_wait3A_571, %dma_wait3A_572] : memref<5x128x32xf32, #tpu.memory_space<vmem>> -> memref<1x128x32xf32, #tpu.memory_space<vmem>>
    %dma_wait3A_574 = tpu.memref_squeeze %dma_wait3A_573 : memref<1x128x32xf32, #tpu.memory_space<vmem>> -> memref<128x32xf32, #tpu.memory_space<vmem>>
    %dma_wait3A_575 = arith.constant 0 : i32
    %dma_wait3A_576 = tpu.memref_slice %arg25[%dma_wait3A_569, %dma_wait3A_575] : memref<5x128xi32, #tpu.memory_space<vmem>> -> memref<1x128xi32, #tpu.memory_space<vmem>>
    %dma_wait3A_577 = tpu.memref_squeeze %dma_wait3A_576 : memref<1x128xi32, #tpu.memory_space<vmem>> -> memref<128xi32, #tpu.memory_space<vmem>>
    %dma_wait3A_578 = arith.constant 0 : i32
    %dma_wait3A_579 = arith.constant 0 : i32
    %dma_wait3A_580 = tpu.memref_slice %arg7[%dma_wait3A_578, %dma_wait3A_579] : memref<100000x32xf32, #tpu.memory_space<hbm>> -> memref<100000x32xf32, #tpu.memory_space<hbm>>
    tpu.wait_indirect_dma semaphore(%arg32 : memref<!tpu.dma_semaphore, #tpu.memory_space<semaphore_mem>>) src(%dma_wait3A_580 : memref<100000x32xf32, #tpu.memory_space<hbm>>) dst(%dma_wait3A_574 : memref<128x32xf32, #tpu.memory_space<vmem>>)
    %dma_wait3A_581 = arith.constant 4 : i32
    %dma_wait3A_582 = arith.constant 4 : i32
    %dma_wait3A_583 = arith.constant 0 : i32
    %dma_wait3A_584 = arith.constant 0 : i32
    %dma_wait3A_585 = tpu.memref_slice %arg26[%dma_wait3A_582, %dma_wait3A_583, %dma_wait3A_584] : memref<5x128x32xf32, #tpu.memory_space<vmem>> -> memref<1x128x32xf32, #tpu.memory_space<vmem>>
    %dma_wait3A_586 = tpu.memref_squeeze %dma_wait3A_585 : memref<1x128x32xf32, #tpu.memory_space<vmem>> -> memref<128x32xf32, #tpu.memory_space<vmem>>
    %dma_wait3A_587 = arith.constant 0 : i32
    %dma_wait3A_588 = tpu.memref_slice %arg25[%dma_wait3A_581, %dma_wait3A_587] : memref<5x128xi32, #tpu.memory_space<vmem>> -> memref<1x128xi32, #tpu.memory_space<vmem>>
    %dma_wait3A_589 = tpu.memref_squeeze %dma_wait3A_588 : memref<1x128xi32, #tpu.memory_space<vmem>> -> memref<128xi32, #tpu.memory_space<vmem>>
    %dma_wait3A_590 = arith.constant 0 : i32
    %dma_wait3A_591 = arith.constant 0 : i32
    %dma_wait3A_592 = tpu.memref_slice %arg8[%dma_wait3A_590, %dma_wait3A_591] : memref<1000x32xf32, #tpu.memory_space<hbm>> -> memref<1000x32xf32, #tpu.memory_space<hbm>>
    tpu.wait_indirect_dma semaphore(%arg32 : memref<!tpu.dma_semaphore, #tpu.memory_space<semaphore_mem>>) src(%dma_wait3A_592 : memref<1000x32xf32, #tpu.memory_space<hbm>>) dst(%dma_wait3A_586 : memref<128x32xf32, #tpu.memory_space<vmem>>)
    %run_scoped3A_593 = arith.constant 0 : i32
    "tpu.region"() ({
      %run_scoped3A_598 = tpu.sem_alloc : memref<!tpu.dma_semaphore, #tpu.memory_space<semaphore_mem>>
      %dma_start3A_599 = arith.constant 0 : i32
      %dma_start3A_600 = arith.constant 0 : i32
      %dma_start3A_601 = tpu.memref_slice %arg26[%run_scoped3A_593, %dma_start3A_599, %dma_start3A_600] : memref<5x128x32xf32, #tpu.memory_space<vmem>> -> memref<1x128x32xf32, #tpu.memory_space<vmem>>
      %dma_start3A_602 = tpu.memref_squeeze %dma_start3A_601 : memref<1x128x32xf32, #tpu.memory_space<vmem>> -> memref<128x32xf32, #tpu.memory_space<vmem>>
      %dma_start3A_603 = arith.constant 0 : i32
      %dma_start3A_604 = tpu.memref_slice %arg18[%mul3A_2, %dma_start3A_603] : memref<4096x32xf32, #tpu.memory_space<hbm>> -> memref<128x32xf32, #tpu.memory_space<hbm>>
      %dma_start3A_605 = arith.constant 0 : i32
      %dma_start3A_606 = tpu.memref_slice %arg18[%mul3A_2, %dma_start3A_605] : memref<4096x32xf32, #tpu.memory_space<hbm>> -> memref<128x32xf32, #tpu.memory_space<hbm>>
      %dma_start3A_607 = arith.constant 0 : i32
      %dma_start3A_608 = arith.constant 0 : i32
      %dma_start3A_609 = tpu.memref_slice %arg26[%run_scoped3A_593, %dma_start3A_607, %dma_start3A_608] : memref<5x128x32xf32, #tpu.memory_space<vmem>> -> memref<1x128x32xf32, #tpu.memory_space<vmem>>
      %dma_start3A_610 = tpu.memref_squeeze %dma_start3A_609 : memref<1x128x32xf32, #tpu.memory_space<vmem>> -> memref<128x32xf32, #tpu.memory_space<vmem>>
      tpu.enqueue_dma source(%dma_start3A_610 : memref<128x32xf32, #tpu.memory_space<vmem>>) target(%dma_start3A_606 : memref<128x32xf32, #tpu.memory_space<hbm>>) target_semaphore(%run_scoped3A_598 : memref<!tpu.dma_semaphore, #tpu.memory_space<semaphore_mem>>)
      %dma_wait3A_611 = arith.constant 0 : i32
      %dma_wait3A_612 = arith.constant 0 : i32
      %dma_wait3A_613 = tpu.memref_slice %arg26[%run_scoped3A_593, %dma_wait3A_611, %dma_wait3A_612] : memref<5x128x32xf32, #tpu.memory_space<vmem>> -> memref<1x128x32xf32, #tpu.memory_space<vmem>>
      %dma_wait3A_614 = tpu.memref_squeeze %dma_wait3A_613 : memref<1x128x32xf32, #tpu.memory_space<vmem>> -> memref<128x32xf32, #tpu.memory_space<vmem>>
      %dma_wait3A_615 = arith.constant 0 : i32
      %dma_wait3A_616 = tpu.memref_slice %arg18[%mul3A_2, %dma_wait3A_615] : memref<4096x32xf32, #tpu.memory_space<hbm>> -> memref<128x32xf32, #tpu.memory_space<hbm>>
      %dma_wait3A_617 = arith.constant 0 : i32
      %dma_wait3A_618 = tpu.memref_slice %arg18[%mul3A_2, %dma_wait3A_617] : memref<4096x32xf32, #tpu.memory_space<hbm>> -> memref<128x32xf32, #tpu.memory_space<hbm>>
      %dma_wait3A_619 = arith.constant 0 : i32
      %dma_wait3A_620 = arith.constant 0 : i32
      %dma_wait3A_621 = tpu.memref_slice %arg26[%run_scoped3A_593, %dma_wait3A_619, %dma_wait3A_620] : memref<5x128x32xf32, #tpu.memory_space<vmem>> -> memref<1x128x32xf32, #tpu.memory_space<vmem>>
      %dma_wait3A_622 = tpu.memref_squeeze %dma_wait3A_621 : memref<1x128x32xf32, #tpu.memory_space<vmem>> -> memref<128x32xf32, #tpu.memory_space<vmem>>
      tpu.wait_dma2 semaphore(%run_scoped3A_598 : memref<!tpu.dma_semaphore, #tpu.memory_space<semaphore_mem>>) src(%dma_wait3A_622 : memref<128x32xf32, #tpu.memory_space<vmem>>) dst(%dma_wait3A_618 : memref<128x32xf32, #tpu.memory_space<hbm>>)
      tpu.yield
    }) : () -> ()
    %run_scoped3A_594 = arith.constant 1 : i32
    "tpu.region"() ({
      %run_scoped3A_598 = tpu.sem_alloc : memref<!tpu.dma_semaphore, #tpu.memory_space<semaphore_mem>>
      %dma_start3A_599 = arith.constant 0 : i32
      %dma_start3A_600 = arith.constant 0 : i32
      %dma_start3A_601 = tpu.memref_slice %arg26[%run_scoped3A_594, %dma_start3A_599, %dma_start3A_600] : memref<5x128x32xf32, #tpu.memory_space<vmem>> -> memref<1x128x32xf32, #tpu.memory_space<vmem>>
      %dma_start3A_602 = tpu.memref_squeeze %dma_start3A_601 : memref<1x128x32xf32, #tpu.memory_space<vmem>> -> memref<128x32xf32, #tpu.memory_space<vmem>>
      %dma_start3A_603 = arith.constant 0 : i32
      %dma_start3A_604 = tpu.memref_slice %arg19[%mul3A_2, %dma_start3A_603] : memref<4096x32xf32, #tpu.memory_space<hbm>> -> memref<128x32xf32, #tpu.memory_space<hbm>>
      %dma_start3A_605 = arith.constant 0 : i32
      %dma_start3A_606 = tpu.memref_slice %arg19[%mul3A_2, %dma_start3A_605] : memref<4096x32xf32, #tpu.memory_space<hbm>> -> memref<128x32xf32, #tpu.memory_space<hbm>>
      %dma_start3A_607 = arith.constant 0 : i32
      %dma_start3A_608 = arith.constant 0 : i32
      %dma_start3A_609 = tpu.memref_slice %arg26[%run_scoped3A_594, %dma_start3A_607, %dma_start3A_608] : memref<5x128x32xf32, #tpu.memory_space<vmem>> -> memref<1x128x32xf32, #tpu.memory_space<vmem>>
      %dma_start3A_610 = tpu.memref_squeeze %dma_start3A_609 : memref<1x128x32xf32, #tpu.memory_space<vmem>> -> memref<128x32xf32, #tpu.memory_space<vmem>>
      tpu.enqueue_dma source(%dma_start3A_610 : memref<128x32xf32, #tpu.memory_space<vmem>>) target(%dma_start3A_606 : memref<128x32xf32, #tpu.memory_space<hbm>>) target_semaphore(%run_scoped3A_598 : memref<!tpu.dma_semaphore, #tpu.memory_space<semaphore_mem>>)
      %dma_wait3A_611 = arith.constant 0 : i32
      %dma_wait3A_612 = arith.constant 0 : i32
      %dma_wait3A_613 = tpu.memref_slice %arg26[%run_scoped3A_594, %dma_wait3A_611, %dma_wait3A_612] : memref<5x128x32xf32, #tpu.memory_space<vmem>> -> memref<1x128x32xf32, #tpu.memory_space<vmem>>
      %dma_wait3A_614 = tpu.memref_squeeze %dma_wait3A_613 : memref<1x128x32xf32, #tpu.memory_space<vmem>> -> memref<128x32xf32, #tpu.memory_space<vmem>>
      %dma_wait3A_615 = arith.constant 0 : i32
      %dma_wait3A_616 = tpu.memref_slice %arg19[%mul3A_2, %dma_wait3A_615] : memref<4096x32xf32, #tpu.memory_space<hbm>> -> memref<128x32xf32, #tpu.memory_space<hbm>>
      %dma_wait3A_617 = arith.constant 0 : i32
      %dma_wait3A_618 = tpu.memref_slice %arg19[%mul3A_2, %dma_wait3A_617] : memref<4096x32xf32, #tpu.memory_space<hbm>> -> memref<128x32xf32, #tpu.memory_space<hbm>>
      %dma_wait3A_619 = arith.constant 0 : i32
      %dma_wait3A_620 = arith.constant 0 : i32
      %dma_wait3A_621 = tpu.memref_slice %arg26[%run_scoped3A_594, %dma_wait3A_619, %dma_wait3A_620] : memref<5x128x32xf32, #tpu.memory_space<vmem>> -> memref<1x128x32xf32, #tpu.memory_space<vmem>>
      %dma_wait3A_622 = tpu.memref_squeeze %dma_wait3A_621 : memref<1x128x32xf32, #tpu.memory_space<vmem>> -> memref<128x32xf32, #tpu.memory_space<vmem>>
      tpu.wait_dma2 semaphore(%run_scoped3A_598 : memref<!tpu.dma_semaphore, #tpu.memory_space<semaphore_mem>>) src(%dma_wait3A_622 : memref<128x32xf32, #tpu.memory_space<vmem>>) dst(%dma_wait3A_618 : memref<128x32xf32, #tpu.memory_space<hbm>>)
      tpu.yield
    }) : () -> ()
    %run_scoped3A_595 = arith.constant 2 : i32
    "tpu.region"() ({
      %run_scoped3A_598 = tpu.sem_alloc : memref<!tpu.dma_semaphore, #tpu.memory_space<semaphore_mem>>
      %dma_start3A_599 = arith.constant 0 : i32
      %dma_start3A_600 = arith.constant 0 : i32
      %dma_start3A_601 = tpu.memref_slice %arg26[%run_scoped3A_595, %dma_start3A_599, %dma_start3A_600] : memref<5x128x32xf32, #tpu.memory_space<vmem>> -> memref<1x128x32xf32, #tpu.memory_space<vmem>>
      %dma_start3A_602 = tpu.memref_squeeze %dma_start3A_601 : memref<1x128x32xf32, #tpu.memory_space<vmem>> -> memref<128x32xf32, #tpu.memory_space<vmem>>
      %dma_start3A_603 = arith.constant 0 : i32
      %dma_start3A_604 = tpu.memref_slice %arg20[%mul3A_2, %dma_start3A_603] : memref<4096x32xf32, #tpu.memory_space<hbm>> -> memref<128x32xf32, #tpu.memory_space<hbm>>
      %dma_start3A_605 = arith.constant 0 : i32
      %dma_start3A_606 = tpu.memref_slice %arg20[%mul3A_2, %dma_start3A_605] : memref<4096x32xf32, #tpu.memory_space<hbm>> -> memref<128x32xf32, #tpu.memory_space<hbm>>
      %dma_start3A_607 = arith.constant 0 : i32
      %dma_start3A_608 = arith.constant 0 : i32
      %dma_start3A_609 = tpu.memref_slice %arg26[%run_scoped3A_595, %dma_start3A_607, %dma_start3A_608] : memref<5x128x32xf32, #tpu.memory_space<vmem>> -> memref<1x128x32xf32, #tpu.memory_space<vmem>>
      %dma_start3A_610 = tpu.memref_squeeze %dma_start3A_609 : memref<1x128x32xf32, #tpu.memory_space<vmem>> -> memref<128x32xf32, #tpu.memory_space<vmem>>
      tpu.enqueue_dma source(%dma_start3A_610 : memref<128x32xf32, #tpu.memory_space<vmem>>) target(%dma_start3A_606 : memref<128x32xf32, #tpu.memory_space<hbm>>) target_semaphore(%run_scoped3A_598 : memref<!tpu.dma_semaphore, #tpu.memory_space<semaphore_mem>>)
      %dma_wait3A_611 = arith.constant 0 : i32
      %dma_wait3A_612 = arith.constant 0 : i32
      %dma_wait3A_613 = tpu.memref_slice %arg26[%run_scoped3A_595, %dma_wait3A_611, %dma_wait3A_612] : memref<5x128x32xf32, #tpu.memory_space<vmem>> -> memref<1x128x32xf32, #tpu.memory_space<vmem>>
      %dma_wait3A_614 = tpu.memref_squeeze %dma_wait3A_613 : memref<1x128x32xf32, #tpu.memory_space<vmem>> -> memref<128x32xf32, #tpu.memory_space<vmem>>
      %dma_wait3A_615 = arith.constant 0 : i32
      %dma_wait3A_616 = tpu.memref_slice %arg20[%mul3A_2, %dma_wait3A_615] : memref<4096x32xf32, #tpu.memory_space<hbm>> -> memref<128x32xf32, #tpu.memory_space<hbm>>
      %dma_wait3A_617 = arith.constant 0 : i32
      %dma_wait3A_618 = tpu.memref_slice %arg20[%mul3A_2, %dma_wait3A_617] : memref<4096x32xf32, #tpu.memory_space<hbm>> -> memref<128x32xf32, #tpu.memory_space<hbm>>
      %dma_wait3A_619 = arith.constant 0 : i32
      %dma_wait3A_620 = arith.constant 0 : i32
      %dma_wait3A_621 = tpu.memref_slice %arg26[%run_scoped3A_595, %dma_wait3A_619, %dma_wait3A_620] : memref<5x128x32xf32, #tpu.memory_space<vmem>> -> memref<1x128x32xf32, #tpu.memory_space<vmem>>
      %dma_wait3A_622 = tpu.memref_squeeze %dma_wait3A_621 : memref<1x128x32xf32, #tpu.memory_space<vmem>> -> memref<128x32xf32, #tpu.memory_space<vmem>>
      tpu.wait_dma2 semaphore(%run_scoped3A_598 : memref<!tpu.dma_semaphore, #tpu.memory_space<semaphore_mem>>) src(%dma_wait3A_622 : memref<128x32xf32, #tpu.memory_space<vmem>>) dst(%dma_wait3A_618 : memref<128x32xf32, #tpu.memory_space<hbm>>)
      tpu.yield
    }) : () -> ()
    %run_scoped3A_596 = arith.constant 3 : i32
    "tpu.region"() ({
      %run_scoped3A_598 = tpu.sem_alloc : memref<!tpu.dma_semaphore, #tpu.memory_space<semaphore_mem>>
      %dma_start3A_599 = arith.constant 0 : i32
      %dma_start3A_600 = arith.constant 0 : i32
      %dma_start3A_601 = tpu.memref_slice %arg26[%run_scoped3A_596, %dma_start3A_599, %dma_start3A_600] : memref<5x128x32xf32, #tpu.memory_space<vmem>> -> memref<1x128x32xf32, #tpu.memory_space<vmem>>
      %dma_start3A_602 = tpu.memref_squeeze %dma_start3A_601 : memref<1x128x32xf32, #tpu.memory_space<vmem>> -> memref<128x32xf32, #tpu.memory_space<vmem>>
      %dma_start3A_603 = arith.constant 0 : i32
      %dma_start3A_604 = tpu.memref_slice %arg21[%mul3A_2, %dma_start3A_603] : memref<4096x32xf32, #tpu.memory_space<hbm>> -> memref<128x32xf32, #tpu.memory_space<hbm>>
      %dma_start3A_605 = arith.constant 0 : i32
      %dma_start3A_606 = tpu.memref_slice %arg21[%mul3A_2, %dma_start3A_605] : memref<4096x32xf32, #tpu.memory_space<hbm>> -> memref<128x32xf32, #tpu.memory_space<hbm>>
      %dma_start3A_607 = arith.constant 0 : i32
      %dma_start3A_608 = arith.constant 0 : i32
      %dma_start3A_609 = tpu.memref_slice %arg26[%run_scoped3A_596, %dma_start3A_607, %dma_start3A_608] : memref<5x128x32xf32, #tpu.memory_space<vmem>> -> memref<1x128x32xf32, #tpu.memory_space<vmem>>
      %dma_start3A_610 = tpu.memref_squeeze %dma_start3A_609 : memref<1x128x32xf32, #tpu.memory_space<vmem>> -> memref<128x32xf32, #tpu.memory_space<vmem>>
      tpu.enqueue_dma source(%dma_start3A_610 : memref<128x32xf32, #tpu.memory_space<vmem>>) target(%dma_start3A_606 : memref<128x32xf32, #tpu.memory_space<hbm>>) target_semaphore(%run_scoped3A_598 : memref<!tpu.dma_semaphore, #tpu.memory_space<semaphore_mem>>)
      %dma_wait3A_611 = arith.constant 0 : i32
      %dma_wait3A_612 = arith.constant 0 : i32
      %dma_wait3A_613 = tpu.memref_slice %arg26[%run_scoped3A_596, %dma_wait3A_611, %dma_wait3A_612] : memref<5x128x32xf32, #tpu.memory_space<vmem>> -> memref<1x128x32xf32, #tpu.memory_space<vmem>>
      %dma_wait3A_614 = tpu.memref_squeeze %dma_wait3A_613 : memref<1x128x32xf32, #tpu.memory_space<vmem>> -> memref<128x32xf32, #tpu.memory_space<vmem>>
      %dma_wait3A_615 = arith.constant 0 : i32
      %dma_wait3A_616 = tpu.memref_slice %arg21[%mul3A_2, %dma_wait3A_615] : memref<4096x32xf32, #tpu.memory_space<hbm>> -> memref<128x32xf32, #tpu.memory_space<hbm>>
      %dma_wait3A_617 = arith.constant 0 : i32
      %dma_wait3A_618 = tpu.memref_slice %arg21[%mul3A_2, %dma_wait3A_617] : memref<4096x32xf32, #tpu.memory_space<hbm>> -> memref<128x32xf32, #tpu.memory_space<hbm>>
      %dma_wait3A_619 = arith.constant 0 : i32
      %dma_wait3A_620 = arith.constant 0 : i32
      %dma_wait3A_621 = tpu.memref_slice %arg26[%run_scoped3A_596, %dma_wait3A_619, %dma_wait3A_620] : memref<5x128x32xf32, #tpu.memory_space<vmem>> -> memref<1x128x32xf32, #tpu.memory_space<vmem>>
      %dma_wait3A_622 = tpu.memref_squeeze %dma_wait3A_621 : memref<1x128x32xf32, #tpu.memory_space<vmem>> -> memref<128x32xf32, #tpu.memory_space<vmem>>
      tpu.wait_dma2 semaphore(%run_scoped3A_598 : memref<!tpu.dma_semaphore, #tpu.memory_space<semaphore_mem>>) src(%dma_wait3A_622 : memref<128x32xf32, #tpu.memory_space<vmem>>) dst(%dma_wait3A_618 : memref<128x32xf32, #tpu.memory_space<hbm>>)
      tpu.yield
    }) : () -> ()
    %run_scoped3A_597 = arith.constant 4 : i32
    "tpu.region"() ({
      %run_scoped3A_598 = tpu.sem_alloc : memref<!tpu.dma_semaphore, #tpu.memory_space<semaphore_mem>>
      %dma_start3A_599 = arith.constant 0 : i32
      %dma_start3A_600 = arith.constant 0 : i32
      %dma_start3A_601 = tpu.memref_slice %arg26[%run_scoped3A_597, %dma_start3A_599, %dma_start3A_600] : memref<5x128x32xf32, #tpu.memory_space<vmem>> -> memref<1x128x32xf32, #tpu.memory_space<vmem>>
      %dma_start3A_602 = tpu.memref_squeeze %dma_start3A_601 : memref<1x128x32xf32, #tpu.memory_space<vmem>> -> memref<128x32xf32, #tpu.memory_space<vmem>>
      %dma_start3A_603 = arith.constant 0 : i32
      %dma_start3A_604 = tpu.memref_slice %arg22[%mul3A_2, %dma_start3A_603] : memref<4096x32xf32, #tpu.memory_space<hbm>> -> memref<128x32xf32, #tpu.memory_space<hbm>>
      %dma_start3A_605 = arith.constant 0 : i32
      %dma_start3A_606 = tpu.memref_slice %arg22[%mul3A_2, %dma_start3A_605] : memref<4096x32xf32, #tpu.memory_space<hbm>> -> memref<128x32xf32, #tpu.memory_space<hbm>>
      %dma_start3A_607 = arith.constant 0 : i32
      %dma_start3A_608 = arith.constant 0 : i32
      %dma_start3A_609 = tpu.memref_slice %arg26[%run_scoped3A_597, %dma_start3A_607, %dma_start3A_608] : memref<5x128x32xf32, #tpu.memory_space<vmem>> -> memref<1x128x32xf32, #tpu.memory_space<vmem>>
      %dma_start3A_610 = tpu.memref_squeeze %dma_start3A_609 : memref<1x128x32xf32, #tpu.memory_space<vmem>> -> memref<128x32xf32, #tpu.memory_space<vmem>>
      tpu.enqueue_dma source(%dma_start3A_610 : memref<128x32xf32, #tpu.memory_space<vmem>>) target(%dma_start3A_606 : memref<128x32xf32, #tpu.memory_space<hbm>>) target_semaphore(%run_scoped3A_598 : memref<!tpu.dma_semaphore, #tpu.memory_space<semaphore_mem>>)
      %dma_wait3A_611 = arith.constant 0 : i32
      %dma_wait3A_612 = arith.constant 0 : i32
      %dma_wait3A_613 = tpu.memref_slice %arg26[%run_scoped3A_597, %dma_wait3A_611, %dma_wait3A_612] : memref<5x128x32xf32, #tpu.memory_space<vmem>> -> memref<1x128x32xf32, #tpu.memory_space<vmem>>
      %dma_wait3A_614 = tpu.memref_squeeze %dma_wait3A_613 : memref<1x128x32xf32, #tpu.memory_space<vmem>> -> memref<128x32xf32, #tpu.memory_space<vmem>>
      %dma_wait3A_615 = arith.constant 0 : i32
      %dma_wait3A_616 = tpu.memref_slice %arg22[%mul3A_2, %dma_wait3A_615] : memref<4096x32xf32, #tpu.memory_space<hbm>> -> memref<128x32xf32, #tpu.memory_space<hbm>>
      %dma_wait3A_617 = arith.constant 0 : i32
      %dma_wait3A_618 = tpu.memref_slice %arg22[%mul3A_2, %dma_wait3A_617] : memref<4096x32xf32, #tpu.memory_space<hbm>> -> memref<128x32xf32, #tpu.memory_space<hbm>>
      %dma_wait3A_619 = arith.constant 0 : i32
      %dma_wait3A_620 = arith.constant 0 : i32
      %dma_wait3A_621 = tpu.memref_slice %arg26[%run_scoped3A_597, %dma_wait3A_619, %dma_wait3A_620] : memref<5x128x32xf32, #tpu.memory_space<vmem>> -> memref<1x128x32xf32, #tpu.memory_space<vmem>>
      %dma_wait3A_622 = tpu.memref_squeeze %dma_wait3A_621 : memref<1x128x32xf32, #tpu.memory_space<vmem>> -> memref<128x32xf32, #tpu.memory_space<vmem>>
      tpu.wait_dma2 semaphore(%run_scoped3A_598 : memref<!tpu.dma_semaphore, #tpu.memory_space<semaphore_mem>>) src(%dma_wait3A_622 : memref<128x32xf32, #tpu.memory_space<vmem>>) dst(%dma_wait3A_618 : memref<128x32xf32, #tpu.memory_space<hbm>>)
      tpu.yield
    }) : () -> ()
    return
  }
}

module attributes {stable_mosaic.version = 14 : i64} {
  func.func @_tc_body(%arg0: i32, %arg1: memref<128x1xi32, #tpu.memory_space<vmem>>, %arg2: memref<50x128x32xbf16, #tpu.memory_space<vmem>>, %arg3: memref<50x128x32xbf16, #tpu.memory_space<vmem>>, %arg4: memref<128x32xf32, #tpu.memory_space<vmem>>, %arg5: memref<128x32xf32, #tpu.memory_space<vmem>>, %arg6: memref<128x32xf32, #tpu.memory_space<vmem>>, %arg7: memref<128x32xf32, #tpu.memory_space<vmem>>, %arg8: memref<128x32xf32, #tpu.memory_space<vmem>>, %arg9: memref<256x80xf32, #tpu.memory_space<vmem>>, %arg10: memref<1x80xf32, #tpu.memory_space<vmem>>, %arg11: memref<80x40xf32, #tpu.memory_space<vmem>>, %arg12: memref<1x40xf32, #tpu.memory_space<vmem>>, %arg13: memref<40x1xf32, #tpu.memory_space<vmem>>, %arg14: memref<1x1xf32, #tpu.memory_space<vmem>>, %arg15: memref<224x256xf32, #tpu.memory_space<vmem>>, %arg16: memref<1x256xf32, #tpu.memory_space<vmem>>, %arg17: memref<256x128xf32, #tpu.memory_space<vmem>>, %arg18: memref<1x128xf32, #tpu.memory_space<vmem>>, %arg19: memref<128x64xf32, #tpu.memory_space<vmem>>, %arg20: memref<1x64xf32, #tpu.memory_space<vmem>>, %arg21: memref<64x1xf32, #tpu.memory_space<vmem>>, %arg22: memref<1x1xf32, #tpu.memory_space<vmem>>, %arg23: memref<128x1xf32, #tpu.memory_space<vmem>>) attributes {dimension_semantics = [#tpu.dimension_semantics<arbitrary>], iteration_bounds = array<i64: 32>, scalar_prefetch = 0 : i64, scratch_operands = 0 : i64, tpu.core_type = #tpu.core_type<tc>, window_params = [{transform_indices = @transform_0, window_bounds = array<i64: 128, 1>}, {transform_indices = @transform_1, window_bounds = array<i64: 50, 128, 32>}, {transform_indices = @transform_2, window_bounds = array<i64: 50, 128, 32>}, {transform_indices = @transform_3, window_bounds = array<i64: 128, 32>}, {transform_indices = @transform_4, window_bounds = array<i64: 128, 32>}, {transform_indices = @transform_5, window_bounds = array<i64: 128, 32>}, {transform_indices = @transform_6, window_bounds = array<i64: 128, 32>}, {transform_indices = @transform_7, window_bounds = array<i64: 128, 32>}, {pipeline_mode = #tpu.pipeline_mode<synchronous>, transform_indices = @transform_8, window_bounds = array<i64: 256, 80>}, {pipeline_mode = #tpu.pipeline_mode<synchronous>, transform_indices = @transform_9, window_bounds = array<i64: 1, 80>}, {pipeline_mode = #tpu.pipeline_mode<synchronous>, transform_indices = @transform_10, window_bounds = array<i64: 80, 40>}, {pipeline_mode = #tpu.pipeline_mode<synchronous>, transform_indices = @transform_11, window_bounds = array<i64: 1, 40>}, {pipeline_mode = #tpu.pipeline_mode<synchronous>, transform_indices = @transform_12, window_bounds = array<i64: 40, 1>}, {pipeline_mode = #tpu.pipeline_mode<synchronous>, transform_indices = @transform_13, window_bounds = array<i64: 1, 1>}, {pipeline_mode = #tpu.pipeline_mode<synchronous>, transform_indices = @transform_14, window_bounds = array<i64: 224, 256>}, {pipeline_mode = #tpu.pipeline_mode<synchronous>, transform_indices = @transform_15, window_bounds = array<i64: 1, 256>}, {pipeline_mode = #tpu.pipeline_mode<synchronous>, transform_indices = @transform_16, window_bounds = array<i64: 256, 128>}, {pipeline_mode = #tpu.pipeline_mode<synchronous>, transform_indices = @transform_17, window_bounds = array<i64: 1, 128>}, {pipeline_mode = #tpu.pipeline_mode<synchronous>, transform_indices = @transform_18, window_bounds = array<i64: 128, 64>}, {pipeline_mode = #tpu.pipeline_mode<synchronous>, transform_indices = @transform_19, window_bounds = array<i64: 1, 64>}, {pipeline_mode = #tpu.pipeline_mode<synchronous>, transform_indices = @transform_20, window_bounds = array<i64: 64, 1>}, {pipeline_mode = #tpu.pipeline_mode<synchronous>, transform_indices = @transform_21, window_bounds = array<i64: 1, 1>}, {transform_indices = @transform_22, window_bounds = array<i64: 128, 1>}]} {
    %get3A = arith.constant 0 : index
    %get3A_0 = arith.constant 0 : index
    %get3A_1 = vector.load %arg4[%get3A, %get3A_0] : memref<128x32xf32, #tpu.memory_space<vmem>>, vector<128x32xf32>
    %get3A_2 = arith.constant 0 : index
    %get3A_3 = arith.constant 0 : index
    %get3A_4 = vector.load %arg5[%get3A_2, %get3A_3] : memref<128x32xf32, #tpu.memory_space<vmem>>, vector<128x32xf32>
    %concatenate3A = tpu.concatenate %get3A_1, %get3A_4 in 1 : vector<128x32xf32>, vector<128x32xf32> -> vector<128x64xf32>
    %get3A_5 = arith.constant 0 : index
    %get3A_6 = arith.constant 0 : index
    %get3A_7 = vector.load %arg9[%get3A_5, %get3A_6] : memref<256x80xf32, #tpu.memory_space<vmem>>, vector<256x80xf32>
    %slice3A = vector.extract_strided_slice %get3A_7 {offsets = [0, 0], sizes = [64, 80], strides = [1, 1]} : vector<256x80xf32> to vector<64x80xf32>
    %slice3A_8 = vector.extract_strided_slice %get3A_7 {offsets = [64, 0], sizes = [64, 80], strides = [1, 1]} : vector<256x80xf32> to vector<64x80xf32>
    %slice3A_9 = vector.extract_strided_slice %get3A_7 {offsets = [128, 0], sizes = [64, 80], strides = [1, 1]} : vector<256x80xf32> to vector<64x80xf32>
    %slice3A_10 = vector.extract_strided_slice %get3A_7 {offsets = [192, 0], sizes = [64, 80], strides = [1, 1]} : vector<256x80xf32> to vector<64x80xf32>
    %add3A = arith.addf %slice3A, %slice3A_9 : vector<64x80xf32>
    %dot_general3A = arith.constant dense<0.000000e+00> : vector<128x80xf32>
    %dot_general3A_11 = tpu.matmul %concatenate3A, %add3A, %dot_general3A {dimension_numbers = #tpu.dot_dimension_numbers<[1], [0], [0], [1], [0, 0, 1, 1], [], []>, transpose_lhs_hint = false} : vector<128x64xf32>, vector<64x80xf32>, vector<128x80xf32> -> vector<128x80xf32>
    %get3A_12 = arith.constant 0 : index
    %get3A_13 = arith.constant 0 : index
    %get3A_14 = arith.constant 0 : index
    %get3A_15 = vector.load %arg2[%get3A_12, %get3A_13, %get3A_14] : memref<50x128x32xbf16, #tpu.memory_space<vmem>>, vector<50x128x32xbf16>
    %convert_element_type3A = arith.extf %get3A_15 : vector<50x128x32xbf16> to vector<50x128x32xf32>
    %get3A_16 = arith.constant 0 : index
    %get3A_17 = arith.constant 0 : index
    %get3A_18 = arith.constant 0 : index
    %get3A_19 = vector.load %arg3[%get3A_16, %get3A_17, %get3A_18] : memref<50x128x32xbf16, #tpu.memory_space<vmem>>, vector<50x128x32xbf16>
    %convert_element_type3A_20 = arith.extf %get3A_19 : vector<50x128x32xbf16> to vector<50x128x32xf32>
    %concatenate3A_21 = tpu.concatenate %convert_element_type3A, %convert_element_type3A_20 in 2 : vector<50x128x32xf32>, vector<50x128x32xf32> -> vector<50x128x64xf32>
    %broadcast_in_dim3A = vector.shape_cast %concatenate3A : vector<128x64xf32> to vector<1x128x64xf32>
    %mul3A = vector.broadcast %broadcast_in_dim3A : vector<1x128x64xf32> to vector<50x128x64xf32>
    %mul3A_22 = arith.mulf %mul3A, %concatenate3A_21 : vector<50x128x64xf32>
    %reshape3A = vector.shape_cast %concatenate3A_21 : vector<50x128x64xf32> to vector<6400x64xf32>
    %reshape3A_23 = vector.shape_cast %mul3A_22 : vector<50x128x64xf32> to vector<6400x64xf32>
    %concatenate3A_24 = tpu.concatenate %reshape3A, %reshape3A_23 in 1 : vector<6400x64xf32>, vector<6400x64xf32> -> vector<6400x128xf32>
    %sub3A = arith.subf %slice3A_8, %slice3A_9 : vector<64x80xf32>
    %concatenate3A_25 = tpu.concatenate %sub3A, %slice3A_10 in 0 : vector<64x80xf32>, vector<64x80xf32> -> vector<128x80xf32>
    %dot_general3A_26 = arith.constant dense<0.000000e+00> : vector<6400x80xf32>
    %dot_general3A_27 = tpu.matmul %concatenate3A_24, %concatenate3A_25, %dot_general3A_26 {dimension_numbers = #tpu.dot_dimension_numbers<[1], [0], [0], [1], [0, 0, 1, 1], [], []>, transpose_lhs_hint = false} : vector<6400x128xf32>, vector<128x80xf32>, vector<6400x80xf32> -> vector<6400x80xf32>
    %broadcast_in_dim3A_28 = vector.shape_cast %dot_general3A_11 : vector<128x80xf32> to vector<1x128x80xf32>
    %broadcast_in_dim3A_29 = vector.shape_cast %broadcast_in_dim3A_28 : vector<1x128x80xf32> to vector<1x128x80xf32>
    %broadcast_in_dim3A_30 = vector.broadcast %broadcast_in_dim3A_29 : vector<1x128x80xf32> to vector<50x128x80xf32>
    %reshape3A_31 = vector.shape_cast %broadcast_in_dim3A_30 : vector<50x128x80xf32> to vector<6400x80xf32>
    %add3A_32 = arith.addf %dot_general3A_27, %reshape3A_31 : vector<6400x80xf32>
    %get3A_33 = arith.constant 0 : index
    %get3A_34 = arith.constant 0 : index
    %get3A_35 = vector.load %arg10[%get3A_33, %get3A_34] : memref<1x80xf32, #tpu.memory_space<vmem>>, vector<1x80xf32>
    %add3A_36 = vector.broadcast %get3A_35 : vector<1x80xf32> to vector<6400x80xf32>
    %add3A_37 = arith.addf %add3A_32, %add3A_36 : vector<6400x80xf32>
    %max3A = arith.constant 0.000000e+00 : f32
    %max3A_38 = vector.broadcast %max3A : f32 to vector<6400x80xf32>
    %max3A_39 = arith.maximumf %add3A_37, %max3A_38 : vector<6400x80xf32>
    %get3A_40 = arith.constant 0 : index
    %get3A_41 = arith.constant 0 : index
    %get3A_42 = vector.load %arg11[%get3A_40, %get3A_41] : memref<80x40xf32, #tpu.memory_space<vmem>>, vector<80x40xf32>
    %dot_general3A_43 = arith.constant dense<0.000000e+00> : vector<6400x40xf32>
    %dot_general3A_44 = tpu.matmul %max3A_39, %get3A_42, %dot_general3A_43 {dimension_numbers = #tpu.dot_dimension_numbers<[1], [0], [0], [1], [0, 0, 1, 1], [], []>, transpose_lhs_hint = false} : vector<6400x80xf32>, vector<80x40xf32>, vector<6400x40xf32> -> vector<6400x40xf32>
    %get3A_45 = arith.constant 0 : index
    %get3A_46 = arith.constant 0 : index
    %get3A_47 = vector.load %arg12[%get3A_45, %get3A_46] : memref<1x40xf32, #tpu.memory_space<vmem>>, vector<1x40xf32>
    %add3A_48 = vector.broadcast %get3A_47 : vector<1x40xf32> to vector<6400x40xf32>
    %add3A_49 = arith.addf %dot_general3A_44, %add3A_48 : vector<6400x40xf32>
    %max3A_50 = arith.constant 0.000000e+00 : f32
    %max3A_51 = vector.broadcast %max3A_50 : f32 to vector<6400x40xf32>
    %max3A_52 = arith.maximumf %add3A_49, %max3A_51 : vector<6400x40xf32>
    %get3A_53 = arith.constant 0 : index
    %get3A_54 = arith.constant 0 : index
    %get3A_55 = vector.load %arg13[%get3A_53, %get3A_54] : memref<40x1xf32, #tpu.memory_space<vmem>>, vector<40x1xf32>
    %dot_general3A_56 = arith.constant dense<0.000000e+00> : vector<6400x1xf32>
    %dot_general3A_57 = tpu.matmul %max3A_52, %get3A_55, %dot_general3A_56 {dimension_numbers = #tpu.dot_dimension_numbers<[1], [0], [0], [1], [0, 0, 1, 1], [], []>, transpose_lhs_hint = false} : vector<6400x40xf32>, vector<40x1xf32>, vector<6400x1xf32> -> vector<6400x1xf32>
    %get3A_58 = arith.constant 0 : index
    %get3A_59 = arith.constant 0 : index
    %get3A_60 = vector.load %arg14[%get3A_58, %get3A_59] : memref<1x1xf32, #tpu.memory_space<vmem>>, vector<1x1xf32>
    %add3A_61 = vector.broadcast %get3A_60 : vector<1x1xf32> to vector<6400x1xf32>
    %add3A_62 = arith.addf %dot_general3A_57, %add3A_61 : vector<6400x1xf32>
    %reshape3A_63 = vector.shape_cast %add3A_62 : vector<6400x1xf32> to vector<50x128x1xf32>
    %iota3A = tpu.iota {dimensions = array<i32: 0>} : vector<50x128x1xi32>
    %get3A_64 = arith.constant 0 : index
    %get3A_65 = arith.constant 0 : index
    %get3A_66 = vector.load %arg1[%get3A_64, %get3A_65] : memref<128x1xi32, #tpu.memory_space<vmem>>, vector<128x1xi32>
    %reshape3A_67 = vector.shape_cast %get3A_66 : vector<128x1xi32> to vector<1x128x1xi32>
    %lt3A = vector.broadcast %reshape3A_67 : vector<1x128x1xi32> to vector<50x128x1xi32>
    %lt3A_68 = arith.cmpi slt, %iota3A, %lt3A : vector<50x128x1xi32>
    %jit3A = arith.constant -1.000000e+09 : f32
    %broadcast_in_dim3A_69 = vector.broadcast %jit3A : f32 to vector<50x128x1xf32>
    %select_n3A = arith.select %lt3A_68, %reshape3A_63, %broadcast_in_dim3A_69 : vector<50x128x1xi1>, vector<50x128x1xf32>
    %reduce_max3A = arith.constant dense<0xFF800000> : vector<128x1xf32>
    %reduce_max3A_70 = vector.multi_reduction <maximumf>, %select_n3A, %reduce_max3A [0] : vector<50x128x1xf32> to vector<128x1xf32>
    %broadcast_in_dim3A_71 = vector.shape_cast %reduce_max3A_70 : vector<128x1xf32> to vector<1x128x1xf32>
    %sub3A_72 = vector.broadcast %broadcast_in_dim3A_71 : vector<1x128x1xf32> to vector<50x128x1xf32>
    %sub3A_73 = arith.subf %select_n3A, %sub3A_72 : vector<50x128x1xf32>
    %exp3A = math.exp %sub3A_73 : vector<50x128x1xf32>
    %reduce_sum3A = arith.constant dense<0.000000e+00> : vector<128x1xf32>
    %reduce_sum3A_74 = vector.multi_reduction <add>, %exp3A, %reduce_sum3A [0] : vector<50x128x1xf32> to vector<128x1xf32>
    %broadcast_in_dim3A_75 = vector.shape_cast %reduce_sum3A_74 : vector<128x1xf32> to vector<1x128x1xf32>
    %div3A = vector.broadcast %broadcast_in_dim3A_75 : vector<1x128x1xf32> to vector<50x128x1xf32>
    %div3A_76 = arith.divf %exp3A, %div3A : vector<50x128x1xf32>
    %mul3A_77 = vector.broadcast %div3A_76 : vector<50x128x1xf32> to vector<50x128x64xf32>
    %mul3A_78 = arith.mulf %mul3A_77, %concatenate3A_21 : vector<50x128x64xf32>
    %reduce_sum3A_79 = arith.constant dense<0.000000e+00> : vector<128x64xf32>
    %reduce_sum3A_80 = vector.multi_reduction <add>, %mul3A_78, %reduce_sum3A_79 [0] : vector<50x128x64xf32> to vector<128x64xf32>
    %get3A_81 = arith.constant 0 : index
    %get3A_82 = arith.constant 0 : index
    %get3A_83 = vector.load %arg6[%get3A_81, %get3A_82] : memref<128x32xf32, #tpu.memory_space<vmem>>, vector<128x32xf32>
    %get3A_84 = arith.constant 0 : index
    %get3A_85 = arith.constant 0 : index
    %get3A_86 = vector.load %arg7[%get3A_84, %get3A_85] : memref<128x32xf32, #tpu.memory_space<vmem>>, vector<128x32xf32>
    %get3A_87 = arith.constant 0 : index
    %get3A_88 = arith.constant 0 : index
    %get3A_89 = vector.load %arg8[%get3A_87, %get3A_88] : memref<128x32xf32, #tpu.memory_space<vmem>>, vector<128x32xf32>
    %concatenate3A_90 = tpu.concatenate %get3A_83, %get3A_86, %get3A_89, %reduce_sum3A_80, %get3A_1, %get3A_4 in 1 : vector<128x32xf32>, vector<128x32xf32>, vector<128x32xf32>, vector<128x64xf32>, vector<128x32xf32>, vector<128x32xf32> -> vector<128x224xf32>
    %get3A_91 = arith.constant 0 : index
    %get3A_92 = arith.constant 0 : index
    %get3A_93 = vector.load %arg15[%get3A_91, %get3A_92] : memref<224x256xf32, #tpu.memory_space<vmem>>, vector<224x256xf32>
    %dot_general3A_94 = arith.constant dense<0.000000e+00> : vector<128x256xf32>
    %dot_general3A_95 = tpu.matmul %concatenate3A_90, %get3A_93, %dot_general3A_94 {dimension_numbers = #tpu.dot_dimension_numbers<[1], [0], [0], [1], [0, 0, 1, 1], [], []>, transpose_lhs_hint = false} : vector<128x224xf32>, vector<224x256xf32>, vector<128x256xf32> -> vector<128x256xf32>
    %get3A_96 = arith.constant 0 : index
    %get3A_97 = arith.constant 0 : index
    %get3A_98 = vector.load %arg16[%get3A_96, %get3A_97] : memref<1x256xf32, #tpu.memory_space<vmem>>, vector<1x256xf32>
    %add3A_99 = vector.broadcast %get3A_98 : vector<1x256xf32> to vector<128x256xf32>
    %add3A_100 = arith.addf %dot_general3A_95, %add3A_99 : vector<128x256xf32>
    %max3A_101 = arith.constant 0.000000e+00 : f32
    %max3A_102 = vector.broadcast %max3A_101 : f32 to vector<128x256xf32>
    %max3A_103 = arith.maximumf %add3A_100, %max3A_102 : vector<128x256xf32>
    %get3A_104 = arith.constant 0 : index
    %get3A_105 = arith.constant 0 : index
    %get3A_106 = vector.load %arg17[%get3A_104, %get3A_105] : memref<256x128xf32, #tpu.memory_space<vmem>>, vector<256x128xf32>
    %dot_general3A_107 = arith.constant dense<0.000000e+00> : vector<128x128xf32>
    %dot_general3A_108 = tpu.matmul %max3A_103, %get3A_106, %dot_general3A_107 {dimension_numbers = #tpu.dot_dimension_numbers<[1], [0], [0], [1], [0, 0, 1, 1], [], []>, transpose_lhs_hint = false} : vector<128x256xf32>, vector<256x128xf32>, vector<128x128xf32> -> vector<128x128xf32>
    %get3A_109 = arith.constant 0 : index
    %get3A_110 = arith.constant 0 : index
    %get3A_111 = vector.load %arg18[%get3A_109, %get3A_110] : memref<1x128xf32, #tpu.memory_space<vmem>>, vector<1x128xf32>
    %add3A_112 = vector.broadcast %get3A_111 : vector<1x128xf32> to vector<128x128xf32>
    %add3A_113 = arith.addf %dot_general3A_108, %add3A_112 : vector<128x128xf32>
    %max3A_114 = arith.constant 0.000000e+00 : f32
    %max3A_115 = vector.broadcast %max3A_114 : f32 to vector<128x128xf32>
    %max3A_116 = arith.maximumf %add3A_113, %max3A_115 : vector<128x128xf32>
    %get3A_117 = arith.constant 0 : index
    %get3A_118 = arith.constant 0 : index
    %get3A_119 = vector.load %arg19[%get3A_117, %get3A_118] : memref<128x64xf32, #tpu.memory_space<vmem>>, vector<128x64xf32>
    %dot_general3A_120 = arith.constant dense<0.000000e+00> : vector<128x64xf32>
    %dot_general3A_121 = tpu.matmul %max3A_116, %get3A_119, %dot_general3A_120 {dimension_numbers = #tpu.dot_dimension_numbers<[1], [0], [0], [1], [0, 0, 1, 1], [], []>, transpose_lhs_hint = false} : vector<128x128xf32>, vector<128x64xf32>, vector<128x64xf32> -> vector<128x64xf32>
    %get3A_122 = arith.constant 0 : index
    %get3A_123 = arith.constant 0 : index
    %get3A_124 = vector.load %arg20[%get3A_122, %get3A_123] : memref<1x64xf32, #tpu.memory_space<vmem>>, vector<1x64xf32>
    %add3A_125 = vector.broadcast %get3A_124 : vector<1x64xf32> to vector<128x64xf32>
    %add3A_126 = arith.addf %dot_general3A_121, %add3A_125 : vector<128x64xf32>
    %max3A_127 = arith.constant 0.000000e+00 : f32
    %max3A_128 = vector.broadcast %max3A_127 : f32 to vector<128x64xf32>
    %max3A_129 = arith.maximumf %add3A_126, %max3A_128 : vector<128x64xf32>
    %get3A_130 = arith.constant 0 : index
    %get3A_131 = arith.constant 0 : index
    %get3A_132 = vector.load %arg21[%get3A_130, %get3A_131] : memref<64x1xf32, #tpu.memory_space<vmem>>, vector<64x1xf32>
    %dot_general3A_133 = arith.constant dense<0.000000e+00> : vector<128x1xf32>
    %dot_general3A_134 = tpu.matmul %max3A_129, %get3A_132, %dot_general3A_133 {dimension_numbers = #tpu.dot_dimension_numbers<[1], [0], [0], [1], [0, 0, 1, 1], [], []>, transpose_lhs_hint = false} : vector<128x64xf32>, vector<64x1xf32>, vector<128x1xf32> -> vector<128x1xf32>
    %get3A_135 = arith.constant 0 : index
    %get3A_136 = arith.constant 0 : index
    %get3A_137 = vector.load %arg22[%get3A_135, %get3A_136] : memref<1x1xf32, #tpu.memory_space<vmem>>, vector<1x1xf32>
    %add3A_138 = vector.broadcast %get3A_137 : vector<1x1xf32> to vector<128x1xf32>
    %add3A_139 = arith.addf %dot_general3A_134, %add3A_138 : vector<128x1xf32>
    %neg3A = arith.constant 0.000000e+00 : f32
    %neg3A_140 = vector.broadcast %neg3A : f32 to vector<128x1xf32>
    %neg3A_141 = arith.subf %neg3A_140, %add3A_139 : vector<128x1xf32>
    %exp3A_142 = math.exp %neg3A_141 : vector<128x1xf32>
    %add3A_143 = arith.constant 1.000000e+00 : f32
    %add3A_144 = vector.broadcast %add3A_143 : f32 to vector<128x1xf32>
    %add3A_145 = arith.addf %add3A_144, %exp3A_142 : vector<128x1xf32>
    %div3A_146 = arith.constant 1.000000e+00 : f32
    %div3A_147 = vector.broadcast %div3A_146 : f32 to vector<128x1xf32>
    %div3A_148 = arith.divf %div3A_147, %add3A_145 : vector<128x1xf32>
    %swap3A = arith.constant 0 : index
    %swap3A_149 = arith.constant 0 : index
    %swap3A_150 = vector.load %arg23[%swap3A, %swap3A_149] : memref<128x1xf32, #tpu.memory_space<vmem>>, vector<128x1xf32>
    tpu.vector_store %arg23[%swap3A, %swap3A_149], %div3A_148 {strides = array<i32>} : memref<128x1xf32, #tpu.memory_space<vmem>>, vector<128x1xf32>,
    return
  }
  func.func @transform_0(%arg0: i32) -> (i32, i32) {
    %c0_i32 = arith.constant 0 : i32
    %c0_i32_0 = arith.constant 0 : i32
    return %arg0, %c0_i32 : i32, i32
  }
  func.func @transform_1(%arg0: i32) -> (i32, i32, i32) {
    %c0_i32 = arith.constant 0 : i32
    %c0_i32_0 = arith.constant 0 : i32
    %c0_i32_1 = arith.constant 0 : i32
    return %c0_i32, %arg0, %c0_i32_0 : i32, i32, i32
  }
  func.func @transform_2(%arg0: i32) -> (i32, i32, i32) {
    %c0_i32 = arith.constant 0 : i32
    %c0_i32_0 = arith.constant 0 : i32
    %c0_i32_1 = arith.constant 0 : i32
    return %c0_i32, %arg0, %c0_i32_0 : i32, i32, i32
  }
  func.func @transform_3(%arg0: i32) -> (i32, i32) {
    %c0_i32 = arith.constant 0 : i32
    %c0_i32_0 = arith.constant 0 : i32
    return %arg0, %c0_i32 : i32, i32
  }
  func.func @transform_4(%arg0: i32) -> (i32, i32) {
    %c0_i32 = arith.constant 0 : i32
    %c0_i32_0 = arith.constant 0 : i32
    return %arg0, %c0_i32 : i32, i32
  }
  func.func @transform_5(%arg0: i32) -> (i32, i32) {
    %c0_i32 = arith.constant 0 : i32
    %c0_i32_0 = arith.constant 0 : i32
    return %arg0, %c0_i32 : i32, i32
  }
  func.func @transform_6(%arg0: i32) -> (i32, i32) {
    %c0_i32 = arith.constant 0 : i32
    %c0_i32_0 = arith.constant 0 : i32
    return %arg0, %c0_i32 : i32, i32
  }
  func.func @transform_7(%arg0: i32) -> (i32, i32) {
    %c0_i32 = arith.constant 0 : i32
    %c0_i32_0 = arith.constant 0 : i32
    return %arg0, %c0_i32 : i32, i32
  }
  func.func @transform_8(%arg0: i32) -> (i32, i32) {
    %c0_i32 = arith.constant 0 : i32
    %c0_i32_0 = arith.constant 0 : i32
    %c0_i32_1 = arith.constant 0 : i32
    return %c0_i32, %c0_i32_0 : i32, i32
  }
  func.func @transform_9(%arg0: i32) -> (i32, i32) {
    %c0_i32 = arith.constant 0 : i32
    %c0_i32_0 = arith.constant 0 : i32
    %c0_i32_1 = arith.constant 0 : i32
    return %c0_i32, %c0_i32_0 : i32, i32
  }
  func.func @transform_10(%arg0: i32) -> (i32, i32) {
    %c0_i32 = arith.constant 0 : i32
    %c0_i32_0 = arith.constant 0 : i32
    %c0_i32_1 = arith.constant 0 : i32
    return %c0_i32, %c0_i32_0 : i32, i32
  }
  func.func @transform_11(%arg0: i32) -> (i32, i32) {
    %c0_i32 = arith.constant 0 : i32
    %c0_i32_0 = arith.constant 0 : i32
    %c0_i32_1 = arith.constant 0 : i32
    return %c0_i32, %c0_i32_0 : i32, i32
  }
  func.func @transform_12(%arg0: i32) -> (i32, i32) {
    %c0_i32 = arith.constant 0 : i32
    %c0_i32_0 = arith.constant 0 : i32
    %c0_i32_1 = arith.constant 0 : i32
    return %c0_i32, %c0_i32_0 : i32, i32
  }
  func.func @transform_13(%arg0: i32) -> (i32, i32) {
    %c0_i32 = arith.constant 0 : i32
    %c0_i32_0 = arith.constant 0 : i32
    %c0_i32_1 = arith.constant 0 : i32
    return %c0_i32, %c0_i32_0 : i32, i32
  }
  func.func @transform_14(%arg0: i32) -> (i32, i32) {
    %c0_i32 = arith.constant 0 : i32
    %c0_i32_0 = arith.constant 0 : i32
    %c0_i32_1 = arith.constant 0 : i32
    return %c0_i32, %c0_i32_0 : i32, i32
  }
  func.func @transform_15(%arg0: i32) -> (i32, i32) {
    %c0_i32 = arith.constant 0 : i32
    %c0_i32_0 = arith.constant 0 : i32
    %c0_i32_1 = arith.constant 0 : i32
    return %c0_i32, %c0_i32_0 : i32, i32
  }
  func.func @transform_16(%arg0: i32) -> (i32, i32) {
    %c0_i32 = arith.constant 0 : i32
    %c0_i32_0 = arith.constant 0 : i32
    %c0_i32_1 = arith.constant 0 : i32
    return %c0_i32, %c0_i32_0 : i32, i32
  }
  func.func @transform_17(%arg0: i32) -> (i32, i32) {
    %c0_i32 = arith.constant 0 : i32
    %c0_i32_0 = arith.constant 0 : i32
    %c0_i32_1 = arith.constant 0 : i32
    return %c0_i32, %c0_i32_0 : i32, i32
  }
  func.func @transform_18(%arg0: i32) -> (i32, i32) {
    %c0_i32 = arith.constant 0 : i32
    %c0_i32_0 = arith.constant 0 : i32
    %c0_i32_1 = arith.constant 0 : i32
    return %c0_i32, %c0_i32_0 : i32, i32
  }
  func.func @transform_19(%arg0: i32) -> (i32, i32) {
    %c0_i32 = arith.constant 0 : i32
    %c0_i32_0 = arith.constant 0 : i32
    %c0_i32_1 = arith.constant 0 : i32
    return %c0_i32, %c0_i32_0 : i32, i32
  }
  func.func @transform_20(%arg0: i32) -> (i32, i32) {
    %c0_i32 = arith.constant 0 : i32
    %c0_i32_0 = arith.constant 0 : i32
    %c0_i32_1 = arith.constant 0 : i32
    return %c0_i32, %c0_i32_0 : i32, i32
  }
  func.func @transform_21(%arg0: i32) -> (i32, i32) {
    %c0_i32 = arith.constant 0 : i32
    %c0_i32_0 = arith.constant 0 : i32
    %c0_i32_1 = arith.constant 0 : i32
    return %c0_i32, %c0_i32_0 : i32, i32
  }
  func.func @transform_22(%arg0: i32) -> (i32, i32) {
    %c0_i32 = arith.constant 0 : i32
    %c0_i32_0 = arith.constant 0 : i32
    return %arg0, %c0_i32 : i32, i32
  }
}

</mosaic_0001>

<sc_bundles>
// kernel: kernel.4.cloned.1.call-start
scs
__scs_entry_jumppad:
0x0: {  	(pc) =	sbr.rel $0x88, $3  }
0x1: {  	(tag) =	ssettag $0x0;
	lr =	simm.s32 $0x1  }
0x2: {  	[smem:$0x3F84] =	sst lr;
	_ =	strace $0xD0000000  }
0x3: {  	_ = 	snop  }
0x4: {  	_ = 	snop  }
0x5: {  	_ = 	snop  }
0x6: {  	_ = 	snop  }
0x7: {  	_ = 	snop  }
__scs_overlays_trampoline_lowered:
0x8: {  	[smem:$0x3F93] =	sst s0  }
0x9: {  	[smem:$0x3F94] =	sst s1  }
0xa: {  	[smem:$0x3F95] =	sst s2  }
0xb: {  	[smem:$0x3F96] =	sst s3  }
0xc: {  	[smem:$0x3F97] =	sst s4  }
0xd: {  	[smem:$0x3F98] =	sst s5  }
0xe: {  	[smem:$0x3F99] =	sst s6  }
0xf: {  	[smem:$0x3F9A] =	sst s7  }
0x10: {  	[smem:$0x3F9B] =	sst s8  }
0x11: {  	[smem:$0x3F9C] =	sst s9;
	s0 =	simm.s32 @!p0 $0x0  }
0x12: {  	s1 =	sld [smem:$0x3F82];
	s0 =	simm.s32 @p0 $0x1  }
0x13: {  	[smem:$0x3F9D] =	sst s0;
	s0 =	simm.s32 @!p1 $0x0  }
0x14: {  	s2 =	sld [smem:$0x3F81];
	s0 =	simm.s32 @p1 $0x1  }
0x15: {  	[smem:$0x3F9E] =	sst s0;
	s0 =	simm.s32 @!p2 $0x0  }
0x16: {  	s3 =	sld [smem:$0x3FDB];
	s0 =	simm.s32 @p2 $0x1  }
0x17: {  	s4 =	simm.s32 $0x1BF5;
	[smem:$0x3FA0] =	sst s0  }
0x18: {  	s0 =	sld [smem:$0x3F83];
	_ =	swait.ge [sflag:s4], $0x0  }
0x19: {  	s7 =	sld [smem:$0x3F84]  }
0x1a: {  	s8 =	sadd.s32 $0xFFFFE003, lr  }
0x1b: {  	s9 =	sadd.s32 $0xFFFFFEF7, lr;
	s5 =	simm.s32 $0xFFFFFFFF;
	p2 =	slt.u32 s8, $0xFFFFF086  }
0x1c: {  	p1 =	slt.u32 s9, $0xF7A;
	s5 =	simm.s32 @!p2 $0x0  }
0x1d: {  	s5 =	simm.s32 @p1 $0x1;
	p0 =	seq.s32 s7, s2  }
0x1e: {  	s7 =	smul.u32 @!p0 $0xF7A, s2;
	p2 =	seq.s32 @!p0 s5, $0x0  }
0x1f: {  	s9 =	smul.u32 $0xF7A, s1;
	s8 =	simm.s32 @!p0 $0x1BF5;
	p2 =	por !p2, p0  }
0x20: {  	[sflag:s8] =	ssyncset.s32 @!p0 $0xFFFFF086;
	s6 =	sadd.s32 @!p0 s3, s7;
	s7 =	simm.s32 @!p0 $0x108  }
0x21: {  	s3 =	sadd.s32 s3, s9;
	s6 =	sadd.s32 @!p0 $0x88, s6;
	s7 =	simm.s32 @p2 $0x1082  }
0x22: {  	[simem:s7], [sflag:s8] =	dma.local @!p0 [hbm:s6], $0xF7A  }
0x23: {  	s9 =	sor.u32 $0xD0000000, s2;
	s6 =	simm.s32 $0x108;
	_ =	swait.ge @!p0 [sflag:s8], $0x0  }
0x24: {  	s3 =	sadd.s32 $0x88, s3;
	s6 =	simm.s32 @!p1 $0x1082;
	[sflag:s4] =	ssyncset.s32 $0xFFFFF086  }
0x25: {  	[simem:s6], [sflag:s4] =	dma.local [hbm:s3], $0xF7A  }
0x26: {  	[smem:$0x3F84] =	sst s1;
	(tag) =	ssettag s2;
	_ =	strace s9  }
0x27: {  	s1 =	sld [smem:$0x3F94]  }
0x28: {  	s2 =	sld [smem:$0x3F95]  }
0x29: {  	s4 =	sld [smem:$0x3F97]  }
0x2a: {  	p0 =	seq.s32 s5, $0x0;
	s5 =	sld [smem:$0x3F98]  }
0x2b: {  	s6 =	sld [smem:$0x3F99]  }
0x2c: {  	s7 =	sld [smem:$0x3F9A]  }
0x2d: {  	s3 =	simm.s32 $0x108;
	s8 =	sld [smem:$0x3F9B]  }
0x2e: {  	s3 =	simm.s32 @!p0 $0x1082;
	s9 =	sld [smem:$0x3F9C]  }
0x2f: {  	lr =	sadd.s32 s0, s3;
	s0 =	sld [smem:$0x3F93]  }
0x30: {  	s3 =	sld [smem:$0x3F96]  }
0x31: {  	[smem:$0x3F9F] =	sst s10  }
0x32: {  	s10 =	sld [smem:$0x3F9D];
	_ =	sdelay $0x3  }
0x33: {  	p0 =	seq.s32 s10, $0x1;
	s10 =	sld [smem:$0x3F9F];
	_ =	sdelay $0x3  }
0x34: {  	[smem:$0x3F9F] =	sst s10  }
0x35: {  	s10 =	sld [smem:$0x3F9E];
	_ =	sdelay $0x3  }
0x36: {  	p1 =	seq.s32 s10, $0x1;
	s10 =	sld [smem:$0x3F9F];
	_ =	sdelay $0x3  }
0x37: {  	[smem:$0x3F9F] =	sst s10  }
0x38: {  	s10 =	sld [smem:$0x3FA0]  }
0x39: {  	_ = 	snop;
	(pc) =	sbr.ind lr, $3  }
0x3a: {  	_ = 	snop  }
0x3b: {  	_ = 	snop  }
0x3c: {  	p2 =	seq.s32 s10, $0x1;
	s10 =	sld [smem:$0x3F9F]  }
0x3d: {  	_ =	shalt  }
0x3e: {  	_ =	shalt  }
0x3f: {  	_ =	shalt  }
0x40: {  	_ =	shalt  }
0x41: {  	_ =	shalt  }
0x42: {  	_ =	shalt  }
0x43: {  	_ =	shalt  }
0x44: {  	_ =	shalt  }
0x45: {  	_ =	shalt  }
0x46: {  	_ =	shalt  }
0x47: {  	_ =	shalt  }
0x48: {  	_ =	shalt  }
0x49: {  	_ =	shalt  }
0x4a: {  	_ =	shalt  }
0x4b: {  	_ =	shalt  }
0x4c: {  	_ =	shalt  }
0x4d: {  	_ =	shalt  }
0x4e: {  	_ =	shalt  }
0x4f: {  	_ =	shalt  }
0x50: {  	_ =	shalt  }
0x51: {  	_ =	shalt  }
0x52: {  	_ =	shalt  }
0x53: {  	_ =	shalt  }
0x54: {  	_ =	shalt  }
0x55: {  	_ =	shalt  }
0x56: {  	_ =	shalt  }
0x57: {  	_ =	shalt  }
0x58: {  	_ =	shalt  }
0x59: {  	_ =	shalt  }
0x5a: {  	_ =	shalt  }
0x5b: {  	_ =	shalt  }
0x5c: {  	_ =	shalt  }
0x5d: {  	_ =	shalt  }
0x5e: {  	_ =	shalt  }
0x5f: {  	_ =	shalt  }
0x60: {  	_ =	shalt  }
0x61: {  	_ =	shalt  }
0x62: {  	_ =	shalt  }
0x63: {  	_ =	shalt  }
0x64: {  	_ =	shalt  }
0x65: {  	_ =	shalt  }
0x66: {  	_ =	shalt  }
0x67: {  	_ =	shalt  }
0x68: {  	_ =	shalt  }
0x69: {  	_ =	shalt  }
0x6a: {  	_ =	shalt  }
0x6b: {  	_ =	shalt  }
0x6c: {  	_ =	shalt  }
0x6d: {  	_ =	shalt  }
0x6e: {  	_ =	shalt  }
0x6f: {  	_ =	shalt  }
0x70: {  	_ =	shalt  }
0x71: {  	_ =	shalt  }
0x72: {  	_ =	shalt  }
0x73: {  	_ =	shalt  }
0x74: {  	_ =	shalt  }
0x75: {  	_ =	shalt  }
0x76: {  	_ =	shalt  }
0x77: {  	_ =	shalt  }
0x78: {  	_ =	shalt  }
0x79: {  	_ =	shalt  }
0x7a: {  	_ =	shalt  }
0x7b: {  	_ =	shalt  }
0x7c: {  	_ =	shalt  }
0x7d: {  	_ =	shalt  }
0x7e: {  	_ =	shalt  }
0x7f: {  	_ =	shalt  }
0x80: {  	_ =	shalt  }
0x81: {  	_ =	shalt  }
0x82: {  	_ =	shalt  }
0x83: {  	_ =	shalt  }
0x84: {  	_ =	shalt  }
0x85: {  	_ =	shalt  }
0x86: {  	_ =	shalt  }
0x87: {  	_ =	shalt  }
.Lfunc_end0:
.L_simem_size_0:
called_computation_lowered:
.L_overlay_start_0:
0x88: {  	s2 =	sld [smem:$0x3FD9]  }
0x89: {  	s3 =	sld [smem:$0x3FFE];
	_ =	sdelay $0x1  }
0x8a: {  	s1 =	srdreg.scid  }
0x8b: {  	s0 =	sand.u32 $0x1, s1  }
0x8c: {  	s17 =	sshll.u32 s0, $0xA;
	s2 =	sadd.s32 s3, s2  }
0x8d: {  	s2 =	sadd.s32 s2, s17  }
0x8e: {  	[smem:$0x3FAB] =	sst s2  }
0x8f: {  	_ = 	snop  }
0x90: {  	s2 =	sld [smem:$0x3FC9]  }
0x91: {  	s18 =	sld [smem:$0x3FC8]  }
0x92: {  	s4 =	sld [smem:$0x3FC7]  }
0x93: {  	s5 =	sld [smem:$0x3FC6]  }
0x94: {  	s6 =	sld [smem:$0x3FC5]  }
0x95: {  	s7 =	sld [smem:$0x3FD0];
	(tm) =	ssettm $0x1  }
0x96: {  	s8 =	sld [smem:$0x3FFB];
	_ =	sdelay $0x3  }
0x97: {  	_ =	strace s8  }
0x98: {  	s8 =	sld [smem:$0x3FFC];
	_ =	sdelay $0x3  }
0x99: {  	_ =	strace s8  }
0x9a: {  	s8 =	sld [smem:$0x3FFD];
	_ =	sdelay $0x3  }
0x9b: {  	_ =	strace s8  }
0x9c: {  	_ =	strace $0x8FFFFFFF  }
0x9d: {  	s19 =	sld [smem:$0x3FDB];
	_ =	sdelay $0x1  }
0x9e: {  	s9 =	simm.s32 $_scs_section_size  }
0x9f: {  	s10 =	simm.s32 $_size__tile_overlayer_lowered;
	s11 =	simm.s32 $_tile_overlayer_lowered  }
0xa0: {  	s22 =	simm.s32 $0x1BFF;
	s21 =	sshll.u32 s11, $0x1;
	s8 =	sadd.s32 s9, s19  }
0xa1: {  	s12 =	simm.s32 $0x0;
	s20 =	sshll.u32 s10, $0x1;
	s10 =	sadd.s32 s21, s8  }
0xa2: {  	[timem:s12], [sflag:s22] =	dma.local [hbm:s10], s20  }
0xa3: {  	_ =	swait.ge [sflag:s22], s20  }
0xa4: {  	s9 =	ssub.s32 $0x0, s20;
	[sflag:s22] =	ssyncset.done $0x0  }
0xa5: {  	[sflag:s22] =	ssyncadd.s32 s9;
	_ =	sdelay $0x1  }
0xa6: {  	s23 =	simm.s32 $0x1B8B  }
0xa7: {  	_ =	swait.ge [sflag:s23], $0x1  }
0xa8: {  	[sflag:s23] =	ssyncset.done $0x0  }
0xa9: {  	s25 =	simm.s32 $0x1B8E;
	s24 =	sld [smem:$0x3FFE];
	[sflag:s23] =	ssyncadd.s32 $0xFFFFFFFF  }
0xaa: {  	s26 =	simm.s32 $execute0_lowered;
	[smem:$0x3FD2] =	sst s25  }
0xab: {  	s10 =	sshll.u32 s26, $0x1;
	_ =	strace $0x80000046;
	[dreg:$0x1] =	wrdreg $0xFFFFFFFF  }
0xac: {  	s28 =	simm.s32 $_size_execute0_lowered;
	s8 =	sadd.s32 s8, s10;
	[dreg:$0x0] =	wrdreg $0x0  }
0xad: {  	s10 =	sshll.u32 s28, $0x1;
	[dreg:$0x2] =	wrdreg s8  }
0xae: {  	[dreg:$0x3] =	wrdreg s10  }
0xaf: {  	[dreg:$0x4] =	wrdreg $0xC0  }
0xb0: {  	_ =	task [dreg:s12], $0x5FFFF  }
0xb1: {  	[dreg:$0x1] =	wrdreg $0xFFFFFFFF  }
0xb2: {  	[dreg:$0x0] =	wrdreg $0x60  }
0xb3: {  	[dreg:$0x2] =	wrdreg s24  }
0xb4: {  	[dreg:$0x3] =	wrdreg s7  }
0xb5: {  	[dreg:$0x4] =	wrdreg s2  }
0xb6: {  	[dreg:$0x5] =	wrdreg s18  }
0xb7: {  	[dreg:$0x6] =	wrdreg s4  }
0xb8: {  	[dreg:$0x7] =	wrdreg s5  }
0xb9: {  	[dreg:$0x8] =	wrdreg s6  }
0xba: {  	[dreg:$0x9] =	wrdreg $0x14C800  }
0xbb: {  	[dreg:$0xa] =	wrdreg $0x9  }
0xbc: {  	_ =	task.clear_ibuf [dreg:s12], $0xBFFFF;
	_ =	strace $0x90000046  }
0xbd: {  	s29 =	simm.s32 $0x9;
	_ =	strace $0x80000048  }
0xbe: {  	_ =	swait.ge [sflag:s29], $0x1  }
0xbf: {  	[sflag:s29] =	ssyncadd.s32 $0xFFFFFFFF  }
0xc0: {  	_ =	strace $0x90000048  }
0xc1: {  	_ =	sfence  }
0xc2: {  	s30 =	sld [smem:$0x0];
	_ =	sdelay $0x2  }
0xc3: {  	s31 =	sshll.u32 s1, $0xD;
	s1 =	sshrl.u32 s1, $0x2  }
0xc4: {  	s3 =	sand.u32 $0x4000, s31;
	s1 =	sadd.s32 s1, s30  }
0xc5: {  	s0 =	sor.u32 s3, s0;
	s1 =	sshll.u32 s1, $0x11  }
0xc6: {  	s0 =	sor.u32 s1, s0  }
0xc7: {  	s0 =	sadd.s32 $0x8F2B, s0  }
0xc8: {  	[sflag:s0] =	ssyncadd.remote.s32 $0x1  }
0xc9: {  	_ =	sfence.sel $0xFFFF  }
0xca: {  	[dreg:$0x0] =	wrdreg $0xFFFFFFFF;
	(pc) =	sbr.abs _section_cstart, $3  }
0xcb: {  	[dreg:$0x1] =	wrdreg $0xFFFFFFFF  }
0xcc: {  	_ =	task.clear_ibuf [dreg:s12], $0x2FFFF;
	_ =	strace $0x9FFFFFFF  }
0xcd: {  	(tm) =	ssettm $0x7FFFFFFF  }
tec
execute0_lowered:
.L_overlay_start_1:
0x0: {  	(tag) =	ssettag $0x1  }
0x1: {  	s3 =	rddreg [dreg:$0x0]  }
0x2: {  	s0 =	rddreg [dreg:$0x1]  }
0x3: {  	s20 =	rddreg [dreg:$0x2]  }
0x4: {  	s5 =	rddreg [dreg:$0x3]  }
0x5: {  	s6 =	rddreg [dreg:$0x4]  }
0x6: {  	s7 =	rddreg [dreg:$0x5]  }
0x7: {  	s8 =	rddreg [dreg:$0x6]  }
0x8: {  	s2 =	rddreg [dreg:$0x7]  }
0x9: {  	s29 =	rddreg [dreg:$0x8];
	s1 =	simm.s32 $0x0  }
0xa: {  	s4 =	srdreg.scid;
	p1 =	por $0x0, $0x0;
	[dreg:$0xb] =	wrdreg s0  }
0xb: {  	[smem:$0x7FF] =	sst s1;
	s9 =	sand.u32 $0x1, s4;
	s10 =	sadd.s32 $0x43C00, s3  }
0xc: {  	s21 =	sadd.s32 $0x1FA400, s3;
	_ =	strace $0x80000047;
	[dreg:$0x9] =	wrdreg s10  }
0xd: {  	s4 =	stileid.u32;
	s22 =	sadd.s32 $0x44400, s3;
	[dreg:$0xa] =	wrdreg s21  }
0xe: {  	s23 =	sadd.s32 $0x198800, s3;
	s24 =	sadd.s32 $0x42C00, s3;
	[dreg:$0xc] =	wrdreg s22  }
0xf: {  	s31 =	sadd.s32 $0x44600, s3;
	s11 =	sshll.u32 s9, $0x4;
	[dreg:$0xd] =	wrdreg s23  }
0x10: {  	[dreg:$0xe] =	wrdreg s24;
	s24 =	sadd.s32 $0xA8600, s3;
	s11 =	sor.u32 s4, s11  }
0x11: {  	p0 =	sne.s32 s4, $0x0;
	s4 =	simm.s32 $0x13C80;
	s30 =	sshll.u32 s11, $0x4  }
0x12: {  	s28 =	sshrl.u32 @!p0 s2, $0x3;
	s12 =	smul.u32 $0x320, s11;
	s0 =	sadd.s32 s20, s30  }
0x13: {  	s15 =	smul.u32 $0x32000, s11;
	s13 =	sadd.s32 s5, s30;
	[dreg:$0x11] =	wrdreg s0  }
0x14: {  	s17 =	smul.u32 $0x3200, s11;
	s14 =	sadd.s32 s6, s30;
	[dreg:$0x12] =	wrdreg s13  }
0x15: {  	s16 =	sadd.s32 s7, s30;
	s18 =	sadd.s32 s8, s30;
	[dreg:$0x13] =	wrdreg s14  }
0x16: {  	s12 =	sadd.s32 s12, s3;
	[dreg:$0x14] =	wrdreg s16;
	s5 =	sshrl.u32 s15, $0x4  }
0x17: {  	[dreg:$0x15] =	wrdreg s18;
	s19 =	sadd.s32 s31, s17;
	s13 =	ssub.s32 $0x2, s9  }
0x18: {  	s9 =	simm.s32 $0x5;
	s0 =	rddreg [dreg:$0x9];
	s25 =	sadd.s32 $0xBA00, s12  }
0x19: {  	s26 =	sadd.s32 $0x5600, s12;
	s20 =	sadd.s32 $0xC80, s5;
	[dreg:$0x16] =	wrdreg s19  }
0x1a: {  	s22 =	sadd.s32 $0x1900, s5;
	s5 =	sadd.s32 $0x2580, s5;
	[dreg:$0xf] =	wrdreg s25  }
0x1b: {  	s15 =	sshrl.u32 s13, $0x1;
	s19 =	sadd.s32 $0x11E00, s3;
	[dreg:$0x10] =	wrdreg s26  }
0x1c: {  	s21 =	sadd.s32 s31, s20;
	s23 =	sadd.s32 s31, s22;
	s25 =	sadd.s32 s31, s5  }
0x1d: {  	s26 =	sadd.s32 s24, s17;
	s30 =	sadd.s32 s24, s20;
	[dreg:$0x17] =	wrdreg s21  }
0x1e: {  	s31 =	sshll.u32 s11, $0x9;
	s7 =	sadd.s32 s24, s22;
	[dreg:$0x18] =	wrdreg s23  }
0x1f: {  	s8 =	sadd.s32 s24, s5;
	s17 =	ssub.s32 s13, s15;
	[dreg:$0x19] =	wrdreg s25  }
0x20: {  	s24 =	simm.s32 $0xFB00;
	s5 =	simm.s32 $0x12C80;
	[dreg:$0x1a] =	wrdreg s26  }
0x21: {  	s22 =	simm.s32 $0xFC00;
	s13 =	simm.s32 $0x3200;
	[dreg:$0x1b] =	wrdreg s30  }
0x22: {  	s15 =	simm.s32 $0x1;
	s20 =	simm.s32 $0xC80;
	[dreg:$0x1c] =	wrdreg s7  }
0x23: {  	s6 =	sadd.s32 s31, s3;
	[dreg:$0x1d] =	wrdreg s8;
	s18 =	smax.u32 s17, $0x1  }
0x24: {  	s3 =	simm.s32 $0x6;
	s17 =	simm.s32 $0x1900;
	s26 =	simm.s32 $0xFA00  }
0x25: {  	s21 =	simm.s32 $0x80;
	s8 =	simm.s32 $0xFC80;
	s25 =	simm.s32 $0xFA80  }
0x26: {  	s7 =	simm.s32 $0x10C80;
	[smem:$0x7FB] =	sst s20;
	s30 =	simm.s32 $0x12C0  }
0x27: {  	s23 =	simm.s32 $0xFB80;
	s31 =	simm.s32 $0x1F40;
	[smem:$0x7FC] =	sst s30  }
0x28: {  	s10 =	sadd.s32 $0x114600, s6;
	[smem:$0x7FD] =	sst s31;
	s18 =	sadd.s32 $0xFFFFFFFF, s18  }
0x29: {  	s11 =	sadd.s32 $0x110600, s6;
	[dreg:$0x1e] =	wrdreg s10;
	p2 =	sne.s32 s18, $0x0  }
.Ltmp0:
0x2a: {  	s12 =	sadd.s32 $0x10C600, s6;
	[dreg:$0x1f] =	wrdreg s11;
	(pc) =	sbr.rel @!p2 .LBB2_1-.Ltmp0, $4  }
0x2b: {  	s20 =	simm.s32 $0x2580;
	s14 =	sadd.s32 $0x11C600, s6;
	[smem:$0x7F8] =	sst s12  }
0x2c: {  	s16 =	sadd.s32 $0x118600, s6;
	s6 =	simm.s32 $0x11C80;
	[smem:$0x7F9] =	sst s14  }
0x2d: {  	[smem:$0x7FA] =	sst s16;
	s16 =	simm.s32 $0x640;
	s11 =	simm.s32 $0x9600  }
0x2e: {  	s10 =	simm.s32 $0x3;
	s14 =	simm.s32 $0x2;
	s12 =	simm.s32 $0x4  }
0x2f: {  	s29 =	simm.s32 @!p0 $0x1C06;
	s30 =	simm.s32 @!p0 $0x6  }
0x30: {  	[spmem:s28], [sflag:s29] =	dma.local @!p0 [hbm:s0], $0x7D0  }
0x31: {  	_ =	swait.ge @!p0 [sflag:s30], $0x7D0  }
0x32: {  	[sflag:s30] =	ssyncset.done @!p0 $0x0  }
0x33: {  	s0 =	rddreg [dreg:$0xf];
	[sflag:s30] =	ssyncadd.s32 @!p0 $0xFFFFF830  }
0x34: {  	[tilespmem:s1], [sflag:$0x6] =	stream.linear.gather [hbm4b:s0+s1], $0x1900, $0x38;
	[tilespmem:$0x15068] =	vst v63  }
0x35: {  	_ =	swait.ge [sflag:s3], $0x1900  }
0x36: {  	[sflag:s3] =	ssyncset.done $0x0  }
0x37: {  	s0 =	rddreg [dreg:$0x10];
	[sflag:s3] =	ssyncadd.s32 $0xFFFFE700  }
0x38: {  	[tilespmem:s17], [sflag:$0x6] =	stream.linear.gather [hbm4b:s0+s1], $0x1900, $0x38;
	[tilespmem:$0x15068] =	vst v63  }
0x39: {  	_ =	swait.ge [sflag:s3], $0x1900  }
0x3a: {  	[sflag:s3] =	ssyncset.done $0x0  }
0x3b: {  	[sflag:s3] =	ssyncadd.s32 $0xFFFFE700  }
0x3c: {  	[bflag:$0x0] =	sbarrier.arrive $0xFFFF  }
0x3d: {  	s0 =	rddreg [dreg:$0x11]  }
0x3e: {  	[tilespmem:s26], [sflag:$0x6] =	stream.linear.gather [hbm4b:s0+s1], $0x80, $0x38;
	[tilespmem:$0x15068] =	vst v63  }
0x3f: {  	_ =	swait.ge [sflag:s3], $0x80  }
0x40: {  	[sflag:s3] =	ssyncset.done $0x0  }
0x41: {  	s0 =	rddreg [dreg:$0xa];
	[sflag:s3] =	ssyncadd.s32 $0xFFFFFF80  }
0x42: {  	[tilespmem:s8], [sflag:$0x5] =	stream.indirect.gather [hbm4b:s0+s21], $0x20, s26, s21, $0xb8;
	[tilespmem:$0x15068] =	vst v63  }
0x43: {  	s31 =	rddreg [dreg:$0x12]  }
0x44: {  	[tilespmem:s25], [sflag:$0x6] =	stream.linear.gather [hbm4b:s31+s1], $0x80, $0x38;
	[tilespmem:$0x15068] =	vst v63  }
0x45: {  	_ =	swait.ge [sflag:s3], $0x80  }
0x46: {  	[sflag:s3] =	ssyncset.done $0x0  }
0x47: {  	s0 =	rddreg [dreg:$0xb];
	[sflag:s3] =	ssyncadd.s32 $0xFFFFFF80  }
0x48: {  	[tilespmem:s7], [sflag:$0x5] =	stream.indirect.gather [hbm4b:s0+s21], $0x20, s25, s21, $0xb8;
	[tilespmem:$0x15068] =	vst v63  }
0x49: {  	s31 =	rddreg [dreg:$0x13]  }
0x4a: {  	[tilespmem:s24], [sflag:$0x6] =	stream.linear.gather [hbm4b:s31+s1], $0x80, $0x38;
	[tilespmem:$0x15068] =	vst v63  }
0x4b: {  	_ =	swait.ge [sflag:s3], $0x80  }
0x4c: {  	[sflag:s3] =	ssyncset.done $0x0  }
0x4d: {  	s0 =	rddreg [dreg:$0xc];
	[sflag:s3] =	ssyncadd.s32 $0xFFFFFF80  }
0x4e: {  	[tilespmem:s6], [sflag:$0x5] =	stream.indirect.gather [hbm4b:s0+s21], $0x20, s24, s21, $0xb8;
	[tilespmem:$0x15068] =	vst v63  }
0x4f: {  	s31 =	rddreg [dreg:$0x14]  }
0x50: {  	[tilespmem:s23], [sflag:$0x6] =	stream.linear.gather [hbm4b:s31+s1], $0x80, $0x38;
	[tilespmem:$0x15068] =	vst v63  }
0x51: {  	_ =	swait.ge [sflag:s3], $0x80  }
0x52: {  	[sflag:s3] =	ssyncset.done $0x0  }
0x53: {  	s0 =	rddreg [dreg:$0xd];
	[sflag:s3] =	ssyncadd.s32 $0xFFFFFF80  }
0x54: {  	[tilespmem:s5], [sflag:$0x5] =	stream.indirect.gather [hbm4b:s0+s21], $0x20, s23, s21, $0xb8;
	[tilespmem:$0x15068] =	vst v63  }
0x55: {  	s31 =	rddreg [dreg:$0x15]  }
0x56: {  	[tilespmem:s22], [sflag:$0x6] =	stream.linear.gather [hbm4b:s31+s1], $0x80, $0x38;
	[tilespmem:$0x15068] =	vst v63  }
0x57: {  	_ =	swait.ge [sflag:s3], $0x80  }
0x58: {  	[sflag:s3] =	ssyncset.done $0x0  }
0x59: {  	s0 =	rddreg [dreg:$0xe];
	[sflag:s3] =	ssyncadd.s32 $0xFFFFFF80  }
0x5a: {  	[tilespmem:s4], [sflag:$0x5] =	stream.indirect.gather [hbm4b:s0+s21], $0x20, s22, s21, $0xb8;
	[tilespmem:$0x15068] =	vst v63  }
0x5b: {  	_ = 	snop  }
0x5c: {  	[tilespmem:s13], [sflag:$0x1] =	stream.indirect.gather [hbm4b:s19+s16], $0x10, s1, s16, $0xb8;
	[tilespmem:$0x15068] =	vst v63  }
0x5d: {  	_ = 	snop  }
0x5e: {  	[tilespmem:s11], [sflag:$0x2] =	stream.indirect.gather [hbm4b:s19+s16], $0x10, s16, s16, $0xb8;
	[tilespmem:$0x15068] =	vst v63  }
0x5f: {  	_ =	swait.ge [sflag:s15], $0x6400  }
0x60: {  	[sflag:s15] =	ssyncset.done $0x0  }
0x61: {  	s0 =	rddreg [dreg:$0x16];
	[sflag:s15] =	ssyncadd.s32 $0xFFFF9C00  }
0x62: {  	[hbm4b:s0+s1] =	stream.linear.scatter [tilespmem:s13], [sflag:$0x3], $0x6400, $0x38;
	[tilespmem:$0x15068] =	vst v63  }
0x63: {  	_ =	swait.ge [sflag:s10], $0x6400  }
0x64: {  	s0 =	sld [smem:$0x7FB]  }
0x65: {  	[sflag:s10] =	ssyncset.done $0x0  }
0x66: {  	[sflag:s10] =	ssyncadd.s32 $0xFFFF9C00  }
0x67: {  	[tilespmem:s13], [sflag:$0x1] =	stream.indirect.gather [hbm4b:s19+s16], $0x10, s0, s16, $0xb8;
	[tilespmem:$0x15068] =	vst v63  }
0x68: {  	_ =	swait.ge [sflag:s14], $0x6400  }
0x69: {  	[sflag:s14] =	ssyncset.done $0x0  }
0x6a: {  	s0 =	rddreg [dreg:$0x17];
	[sflag:s14] =	ssyncadd.s32 $0xFFFF9C00  }
0x6b: {  	[hbm4b:s0+s1] =	stream.linear.scatter [tilespmem:s11], [sflag:$0x4], $0x6400, $0x38;
	[tilespmem:$0x15068] =	vst v63  }
0x6c: {  	_ =	swait.ge [sflag:s12], $0x6400  }
0x6d: {  	s0 =	sld [smem:$0x7FC]  }
0x6e: {  	[sflag:s12] =	ssyncset.done $0x0  }
0x6f: {  	[sflag:s12] =	ssyncadd.s32 $0xFFFF9C00  }
0x70: {  	[tilespmem:s11], [sflag:$0x2] =	stream.indirect.gather [hbm4b:s19+s16], $0x10, s0, s16, $0xb8;
	[tilespmem:$0x15068] =	vst v63  }
0x71: {  	_ =	swait.ge [sflag:s15], $0x6400  }
0x72: {  	[sflag:s15] =	ssyncset.done $0x0  }
0x73: {  	s0 =	rddreg [dreg:$0x18];
	[sflag:s15] =	ssyncadd.s32 $0xFFFF9C00  }
0x74: {  	[hbm4b:s0+s1] =	stream.linear.scatter [tilespmem:s13], [sflag:$0x3], $0x6400, $0x38;
	[tilespmem:$0x15068] =	vst v63  }
0x75: {  	_ =	swait.ge [sflag:s10], $0x6400  }
0x76: {  	[sflag:s10] =	ssyncset.done $0x0  }
0x77: {  	[sflag:s10] =	ssyncadd.s32 $0xFFFF9C00  }
0x78: {  	[tilespmem:s13], [sflag:$0x1] =	stream.indirect.gather [spmem:s2], $0x10, s17, s16, $0xb8;
	[tilespmem:$0x15068] =	vst v63  }
0x79: {  	_ =	swait.ge [sflag:s14], $0x6400  }
0x7a: {  	[sflag:s14] =	ssyncset.done $0x0  }
0x7b: {  	s0 =	rddreg [dreg:$0x19];
	[sflag:s14] =	ssyncadd.s32 $0xFFFF9C00  }
0x7c: {  	[hbm4b:s0+s1] =	stream.linear.scatter [tilespmem:s11], [sflag:$0x4], $0x6400, $0x38;
	[tilespmem:$0x15068] =	vst v63  }
0x7d: {  	_ =	swait.ge [sflag:s12], $0x6400  }
0x7e: {  	s0 =	sld [smem:$0x7FD]  }
0x7f: {  	[sflag:s12] =	ssyncset.done $0x0  }
0x80: {  	[sflag:s12] =	ssyncadd.s32 $0xFFFF9C00  }
0x81: {  	[tilespmem:s11], [sflag:$0x2] =	stream.indirect.gather [spmem:s2], $0x10, s0, s16, $0xb8;
	[tilespmem:$0x15068] =	vst v63  }
0x82: {  	_ =	swait.ge [sflag:s15], $0x6400  }
0x83: {  	[sflag:s15] =	ssyncset.done $0x0  }
0x84: {  	s0 =	rddreg [dreg:$0x1a];
	[sflag:s15] =	ssyncadd.s32 $0xFFFF9C00  }
0x85: {  	[hbm4b:s0+s1] =	stream.linear.scatter [tilespmem:s13], [sflag:$0x3], $0x6400, $0x38;
	[tilespmem:$0x15068] =	vst v63  }
0x86: {  	_ =	swait.ge [sflag:s10], $0x6400  }
0x87: {  	[sflag:s10] =	ssyncset.done $0x0  }
0x88: {  	[sflag:s10] =	ssyncadd.s32 $0xFFFF9C00  }
0x89: {  	[tilespmem:s13], [sflag:$0x1] =	stream.indirect.gather [spmem:s2], $0x10, s20, s16, $0xb8;
	[tilespmem:$0x15068] =	vst v63  }
0x8a: {  	_ =	swait.ge [sflag:s14], $0x6400  }
0x8b: {  	[sflag:s14] =	ssyncset.done $0x0  }
0x8c: {  	s0 =	rddreg [dreg:$0x1b];
	[sflag:s14] =	ssyncadd.s32 $0xFFFF9C00  }
0x8d: {  	[hbm4b:s0+s1] =	stream.linear.scatter [tilespmem:s11], [sflag:$0x4], $0x6400, $0x38;
	[tilespmem:$0x15068] =	vst v63  }
0x8e: {  	_ =	swait.ge [sflag:s12], $0x6400  }
0x8f: {  	[sflag:s12] =	ssyncset.done $0x0  }
0x90: {  	s0 =	simm.s32 $0x2BC0;
	[sflag:s12] =	ssyncadd.s32 $0xFFFF9C00  }
0x91: {  	[tilespmem:s11], [sflag:$0x2] =	stream.indirect.gather [spmem:s2], $0x10, s0, s16, $0xb8;
	[tilespmem:$0x15068] =	vst v63  }
0x92: {  	_ =	swait.ge [sflag:s15], $0x6400  }
0x93: {  	[sflag:s15] =	ssyncset.done $0x0  }
0x94: {  	s0 =	rddreg [dreg:$0x1c];
	[sflag:s15] =	ssyncadd.s32 $0xFFFF9C00  }
0x95: {  	[hbm4b:s0+s1] =	stream.linear.scatter [tilespmem:s13], [sflag:$0x3], $0x6400, $0x38;
	[tilespmem:$0x15068] =	vst v63  }
0x96: {  	_ =	swait.ge [sflag:s14], $0x6400  }
0x97: {  	[sflag:s14] =	ssyncset.done $0x0  }
0x98: {  	s0 =	rddreg [dreg:$0x1d];
	[sflag:s14] =	ssyncadd.s32 $0xFFFF9C00  }
0x99: {  	[hbm4b:s0+s1] =	stream.linear.scatter [tilespmem:s11], [sflag:$0x4], $0x6400, $0x38;
	[tilespmem:$0x15068] =	vst v63  }
0x9a: {  	_ =	swait.ge [sflag:s10], $0x6400  }
0x9b: {  	[sflag:s10] =	ssyncset.done $0x0  }
0x9c: {  	[sflag:s10] =	ssyncadd.s32 $0xFFFF9C00  }
0x9d: {  	_ =	swait.ge [sflag:s12], $0x6400  }
0x9e: {  	[sflag:s12] =	ssyncset.done $0x0  }
0x9f: {  	[sflag:s12] =	ssyncadd.s32 $0xFFFF9C00  }
0xa0: {  	_ =	swait.ge [sflag:s9], $0x1000  }
0xa1: {  	[sflag:s9] =	ssyncset.done $0x0  }
0xa2: {  	[sflag:s9] =	ssyncadd.s32 $0xFFFFF000  }
0xa3: {  	_ =	swait.ge [sflag:s9], $0x1000  }
0xa4: {  	[sflag:s9] =	ssyncset.done $0x0  }
0xa5: {  	[sflag:s9] =	ssyncadd.s32 $0xFFFFF000  }
0xa6: {  	_ =	swait.ge [sflag:s9], $0x1000  }
0xa7: {  	[sflag:s9] =	ssyncset.done $0x0  }
0xa8: {  	[sflag:s9] =	ssyncadd.s32 $0xFFFFF000  }
0xa9: {  	_ =	swait.ge [sflag:s9], $0x1000  }
0xaa: {  	[sflag:s9] =	ssyncset.done $0x0  }
0xab: {  	[sflag:s9] =	ssyncadd.s32 $0xFFFFF000  }
0xac: {  	_ =	swait.ge [sflag:s9], $0x1000  }
0xad: {  	[sflag:s9] =	ssyncset.done $0x0  }
0xae: {  	s0 =	rddreg [dreg:$0x1e];
	[sflag:s9] =	ssyncadd.s32 $0xFFFFF000  }
0xaf: {  	[hbm4b:s0+s1] =	stream.linear.scatter [tilespmem:s8], [sflag:$0x6], $0x1000, $0x38;
	[tilespmem:$0x15068] =	vst v63  }
0xb0: {  	_ =	swait.ge [sflag:s3], $0x1000  }
0xb1: {  	[sflag:s3] =	ssyncset.done $0x0  }
0xb2: {  	s0 =	rddreg [dreg:$0x1f];
	[sflag:s3] =	ssyncadd.s32 $0xFFFFF000  }
0xb3: {  	[hbm4b:s0+s1] =	stream.linear.scatter [tilespmem:s7], [sflag:$0x6], $0x1000, $0x38;
	[tilespmem:$0x15068] =	vst v63  }
0xb4: {  	_ =	swait.ge [sflag:s3], $0x1000  }
0xb5: {  	s0 =	sld [smem:$0x7F8]  }
0xb6: {  	[sflag:s3] =	ssyncset.done $0x0  }
0xb7: {  	[sflag:s3] =	ssyncadd.s32 $0xFFFFF000  }
0xb8: {  	[hbm4b:s0+s1] =	stream.linear.scatter [tilespmem:s6], [sflag:$0x6], $0x1000, $0x38;
	[tilespmem:$0x15068] =	vst v63  }
0xb9: {  	_ =	swait.ge [sflag:s3], $0x1000  }
0xba: {  	s0 =	sld [smem:$0x7F9]  }
0xbb: {  	[sflag:s3] =	ssyncset.done $0x0  }
0xbc: {  	[sflag:s3] =	ssyncadd.s32 $0xFFFFF000  }
0xbd: {  	[hbm4b:s0+s1] =	stream.linear.scatter [tilespmem:s5], [sflag:$0x6], $0x1000, $0x38;
	[tilespmem:$0x15068] =	vst v63  }
0xbe: {  	s31 =	sadd.s32 $0xFFFFFFFF, s18;
	_ =	swait.ge [sflag:s3], $0x1000  }
0xbf: {  	p2 =	sne.s32 s31, $0x0;
	s0 =	sld [smem:$0x7FA]  }
.Ltmp1:
0xc0: {  	[sflag:s3] =	ssyncset.done $0x0;
	(pc) =	sbr.rel @!p2 .LBB2_3-.Ltmp1, $4  }
0xc1: {  	[sflag:s3] =	ssyncadd.s32 $0xFFFFF000  }
0xc2: {  	[hbm4b:s0+s1] =	stream.linear.scatter [tilespmem:s4], [sflag:$0x6], $0x1000, $0x38;
	[tilespmem:$0x15068] =	vst v63  }
0xc3: {  	_ =	swait.ge [sflag:s3], $0x1000  }
0xc4: {  	p1 =	por $0x1, $0x1;
	s0 =	rddreg [dreg:$0x9];
	[sflag:s3] =	ssyncset.done $0x0  }
.LBB2_4:
0xc5: {  	[sflag:s3] =	ssyncadd.s32 $0xFFFFF000  }
0xc6: {  	[spmem:s28], [sflag:s29] =	dma.local @!p0 [hbm:s0], $0x7D0  }
0xc7: {  	_ =	swait.ge @!p0 [sflag:s30], $0x7D0  }
0xc8: {  	[sflag:s30] =	ssyncset.done @!p0 $0x0  }
0xc9: {  	s18 =	rddreg [dreg:$0xf];
	[sflag:s30] =	ssyncadd.s32 @!p0 $0xFFFFF830  }
0xca: {  	[tilespmem:s1], [sflag:$0x6] =	stream.linear.gather [hbm4b:s18+s1], $0x1900, $0x38;
	[tilespmem:$0x15068] =	vst v63  }
0xcb: {  	_ =	swait.ge [sflag:s3], $0x1900  }
0xcc: {  	[sflag:s3] =	ssyncset.done $0x0  }
0xcd: {  	s18 =	rddreg [dreg:$0x10];
	[sflag:s3] =	ssyncadd.s32 $0xFFFFE700  }
0xce: {  	[tilespmem:s17], [sflag:$0x6] =	stream.linear.gather [hbm4b:s18+s1], $0x1900, $0x38;
	[tilespmem:$0x15068] =	vst v63  }
0xcf: {  	_ =	swait.ge [sflag:s3], $0x1900  }
0xd0: {  	[sflag:s3] =	ssyncset.done $0x0  }
0xd1: {  	[sflag:s3] =	ssyncadd.s32 $0xFFFFE700  }
0xd2: {  	[bflag:$0x0] =	sbarrier.arrive $0xFFFF  }
0xd3: {  	s18 =	rddreg [dreg:$0x11]  }
0xd4: {  	[tilespmem:s26], [sflag:$0x6] =	stream.linear.gather [hbm4b:s18+s1], $0x80, $0x38;
	[tilespmem:$0x15068] =	vst v63  }
0xd5: {  	_ =	swait.ge [sflag:s3], $0x80  }
0xd6: {  	[sflag:s3] =	ssyncset.done $0x0  }
0xd7: {  	s0 =	rddreg [dreg:$0xa];
	[sflag:s3] =	ssyncadd.s32 $0xFFFFFF80  }
0xd8: {  	[tilespmem:s8], [sflag:$0x5] =	stream.indirect.gather [hbm4b:s0+s21], $0x20, s26, s21, $0xb8;
	[tilespmem:$0x15068] =	vst v63  }
0xd9: {  	s18 =	rddreg [dreg:$0x12]  }
0xda: {  	[tilespmem:s25], [sflag:$0x6] =	stream.linear.gather [hbm4b:s18+s1], $0x80, $0x38;
	[tilespmem:$0x15068] =	vst v63  }
0xdb: {  	_ =	swait.ge [sflag:s3], $0x80  }
0xdc: {  	[sflag:s3] =	ssyncset.done $0x0  }
0xdd: {  	s0 =	rddreg [dreg:$0xb];
	[sflag:s3] =	ssyncadd.s32 $0xFFFFFF80  }
0xde: {  	[tilespmem:s7], [sflag:$0x5] =	stream.indirect.gather [hbm4b:s0+s21], $0x20, s25, s21, $0xb8;
	[tilespmem:$0x15068] =	vst v63  }
0xdf: {  	s18 =	rddreg [dreg:$0x13]  }
0xe0: {  	[tilespmem:s24], [sflag:$0x6] =	stream.linear.gather [hbm4b:s18+s1], $0x80, $0x38;
	[tilespmem:$0x15068] =	vst v63  }
0xe1: {  	_ =	swait.ge [sflag:s3], $0x80  }
0xe2: {  	[sflag:s3] =	ssyncset.done $0x0  }
0xe3: {  	s0 =	rddreg [dreg:$0xc];
	[sflag:s3] =	ssyncadd.s32 $0xFFFFFF80  }
0xe4: {  	[tilespmem:s6], [sflag:$0x5] =	stream.indirect.gather [hbm4b:s0+s21], $0x20, s24, s21, $0xb8;
	[tilespmem:$0x15068] =	vst v63  }
0xe5: {  	s18 =	rddreg [dreg:$0x14]  }
0xe6: {  	[tilespmem:s23], [sflag:$0x6] =	stream.linear.gather [hbm4b:s18+s1], $0x80, $0x38;
	[tilespmem:$0x15068] =	vst v63  }
0xe7: {  	_ =	swait.ge [sflag:s3], $0x80  }
0xe8: {  	[sflag:s3] =	ssyncset.done $0x0  }
0xe9: {  	s0 =	rddreg [dreg:$0xd];
	[sflag:s3] =	ssyncadd.s32 $0xFFFFFF80  }
0xea: {  	[tilespmem:s5], [sflag:$0x5] =	stream.indirect.gather [hbm4b:s0+s21], $0x20, s23, s21, $0xb8;
	[tilespmem:$0x15068] =	vst v63  }
0xeb: {  	s18 =	rddreg [dreg:$0x15]  }
0xec: {  	[tilespmem:s22], [sflag:$0x6] =	stream.linear.gather [hbm4b:s18+s1], $0x80, $0x38;
	[tilespmem:$0x15068] =	vst v63  }
0xed: {  	_ =	swait.ge [sflag:s3], $0x80  }
0xee: {  	[sflag:s3] =	ssyncset.done $0x0  }
0xef: {  	s0 =	rddreg [dreg:$0xe];
	[sflag:s3] =	ssyncadd.s32 $0xFFFFFF80  }
0xf0: {  	[tilespmem:s4], [sflag:$0x5] =	stream.indirect.gather [hbm4b:s0+s21], $0x20, s22, s21, $0xb8;
	[tilespmem:$0x15068] =	vst v63  }
0xf1: {  	_ = 	snop  }
0xf2: {  	[tilespmem:s13], [sflag:$0x1] =	stream.indirect.gather [hbm4b:s19+s16], $0x10, s1, s16, $0xb8;
	[tilespmem:$0x15068] =	vst v63  }
0xf3: {  	_ = 	snop  }
0xf4: {  	[tilespmem:s11], [sflag:$0x2] =	stream.indirect.gather [hbm4b:s19+s16], $0x10, s16, s16, $0xb8;
	[tilespmem:$0x15068] =	vst v63  }
0xf5: {  	_ =	swait.ge [sflag:s15], $0x6400  }
0xf6: {  	[sflag:s15] =	ssyncset.done $0x0  }
0xf7: {  	s0 =	rddreg [dreg:$0x16];
	[sflag:s15] =	ssyncadd.s32 $0xFFFF9C00  }
0xf8: {  	[hbm4b:s0+s1] =	stream.linear.scatter [tilespmem:s13], [sflag:$0x3], $0x6400, $0x38;
	[tilespmem:$0x15068] =	vst v63  }
0xf9: {  	_ =	swait.ge [sflag:s10], $0x6400  }
0xfa: {  	s0 =	sld [smem:$0x7FB]  }
0xfb: {  	[sflag:s10] =	ssyncset.done $0x0  }
0xfc: {  	[sflag:s10] =	ssyncadd.s32 $0xFFFF9C00  }
0xfd: {  	[tilespmem:s13], [sflag:$0x1] =	stream.indirect.gather [hbm4b:s19+s16], $0x10, s0, s16, $0xb8;
	[tilespmem:$0x15068] =	vst v63  }
0xfe: {  	_ =	swait.ge [sflag:s14], $0x6400  }
0xff: {  	[sflag:s14] =	ssyncset.done $0x0  }
0x100: {  	s0 =	rddreg [dreg:$0x17];
	[sflag:s14] =	ssyncadd.s32 $0xFFFF9C00  }
0x101: {  	[hbm4b:s0+s1] =	stream.linear.scatter [tilespmem:s11], [sflag:$0x4], $0x6400, $0x38;
	[tilespmem:$0x15068] =	vst v63  }
0x102: {  	_ =	swait.ge [sflag:s12], $0x6400  }
0x103: {  	s0 =	sld [smem:$0x7FC]  }
0x104: {  	[sflag:s12] =	ssyncset.done $0x0  }
0x105: {  	[sflag:s12] =	ssyncadd.s32 $0xFFFF9C00  }
0x106: {  	[tilespmem:s11], [sflag:$0x2] =	stream.indirect.gather [hbm4b:s19+s16], $0x10, s0, s16, $0xb8;
	[tilespmem:$0x15068] =	vst v63  }
0x107: {  	_ =	swait.ge [sflag:s15], $0x6400  }
0x108: {  	[sflag:s15] =	ssyncset.done $0x0  }
0x109: {  	s0 =	rddreg [dreg:$0x18];
	[sflag:s15] =	ssyncadd.s32 $0xFFFF9C00  }
0x10a: {  	[hbm4b:s0+s1] =	stream.linear.scatter [tilespmem:s13], [sflag:$0x3], $0x6400, $0x38;
	[tilespmem:$0x15068] =	vst v63  }
0x10b: {  	_ =	swait.ge [sflag:s10], $0x6400  }
0x10c: {  	[sflag:s10] =	ssyncset.done $0x0  }
0x10d: {  	[sflag:s10] =	ssyncadd.s32 $0xFFFF9C00  }
0x10e: {  	[tilespmem:s13], [sflag:$0x1] =	stream.indirect.gather [spmem:s2], $0x10, s17, s16, $0xb8;
	[tilespmem:$0x15068] =	vst v63  }
0x10f: {  	_ =	swait.ge [sflag:s14], $0x6400  }
0x110: {  	[sflag:s14] =	ssyncset.done $0x0  }
0x111: {  	s0 =	rddreg [dreg:$0x19];
	[sflag:s14] =	ssyncadd.s32 $0xFFFF9C00  }
0x112: {  	[hbm4b:s0+s1] =	stream.linear.scatter [tilespmem:s11], [sflag:$0x4], $0x6400, $0x38;
	[tilespmem:$0x15068] =	vst v63  }
0x113: {  	_ =	swait.ge [sflag:s12], $0x6400  }
0x114: {  	s0 =	sld [smem:$0x7FD]  }
0x115: {  	[sflag:s12] =	ssyncset.done $0x0  }
0x116: {  	[sflag:s12] =	ssyncadd.s32 $0xFFFF9C00  }
0x117: {  	[tilespmem:s11], [sflag:$0x2] =	stream.indirect.gather [spmem:s2], $0x10, s0, s16, $0xb8;
	[tilespmem:$0x15068] =	vst v63  }
0x118: {  	_ =	swait.ge [sflag:s15], $0x6400  }
0x119: {  	[sflag:s15] =	ssyncset.done $0x0  }
0x11a: {  	s0 =	rddreg [dreg:$0x1a];
	[sflag:s15] =	ssyncadd.s32 $0xFFFF9C00  }
0x11b: {  	[hbm4b:s0+s1] =	stream.linear.scatter [tilespmem:s13], [sflag:$0x3], $0x6400, $0x38;
	[tilespmem:$0x15068] =	vst v63  }
0x11c: {  	_ =	swait.ge [sflag:s10], $0x6400  }
0x11d: {  	[sflag:s10] =	ssyncset.done $0x0  }
0x11e: {  	[sflag:s10] =	ssyncadd.s32 $0xFFFF9C00  }
0x11f: {  	[tilespmem:s13], [sflag:$0x1] =	stream.indirect.gather [spmem:s2], $0x10, s20, s16, $0xb8;
	[tilespmem:$0x15068] =	vst v63  }
0x120: {  	_ =	swait.ge [sflag:s14], $0x6400  }
0x121: {  	[sflag:s14] =	ssyncset.done $0x0  }
0x122: {  	s0 =	rddreg [dreg:$0x1b];
	[sflag:s14] =	ssyncadd.s32 $0xFFFF9C00  }
0x123: {  	[hbm4b:s0+s1] =	stream.linear.scatter [tilespmem:s11], [sflag:$0x4], $0x6400, $0x38;
	[tilespmem:$0x15068] =	vst v63  }
0x124: {  	_ =	swait.ge [sflag:s12], $0x6400  }
0x125: {  	[sflag:s12] =	ssyncset.done $0x0  }
0x126: {  	s18 =	simm.s32 $0x2BC0;
	[sflag:s12] =	ssyncadd.s32 $0xFFFF9C00  }
0x127: {  	[tilespmem:s11], [sflag:$0x2] =	stream.indirect.gather [spmem:s2], $0x10, s18, s16, $0xb8;
	[tilespmem:$0x15068] =	vst v63  }
0x128: {  	_ =	swait.ge [sflag:s15], $0x6400  }
0x129: {  	[sflag:s15] =	ssyncset.done $0x0  }
0x12a: {  	s18 =	rddreg [dreg:$0x1c];
	[sflag:s15] =	ssyncadd.s32 $0xFFFF9C00  }
0x12b: {  	[hbm4b:s18+s1] =	stream.linear.scatter [tilespmem:s13], [sflag:$0x3], $0x6400, $0x38;
	[tilespmem:$0x15068] =	vst v63  }
0x12c: {  	_ =	swait.ge [sflag:s14], $0x6400  }
0x12d: {  	[sflag:s14] =	ssyncset.done $0x0  }
0x12e: {  	s18 =	rddreg [dreg:$0x1d];
	[sflag:s14] =	ssyncadd.s32 $0xFFFF9C00  }
0x12f: {  	[hbm4b:s18+s1] =	stream.linear.scatter [tilespmem:s11], [sflag:$0x4], $0x6400, $0x38;
	[tilespmem:$0x15068] =	vst v63  }
0x130: {  	_ =	swait.ge [sflag:s10], $0x6400  }
0x131: {  	[sflag:s10] =	ssyncset.done $0x0  }
0x132: {  	[sflag:s10] =	ssyncadd.s32 $0xFFFF9C00  }
0x133: {  	_ =	swait.ge [sflag:s12], $0x6400  }
0x134: {  	[sflag:s12] =	ssyncset.done $0x0  }
0x135: {  	[sflag:s12] =	ssyncadd.s32 $0xFFFF9C00  }
0x136: {  	_ =	swait.ge [sflag:s9], $0x1000  }
0x137: {  	[sflag:s9] =	ssyncset.done $0x0  }
0x138: {  	[sflag:s9] =	ssyncadd.s32 $0xFFFFF000  }
0x139: {  	_ =	swait.ge [sflag:s9], $0x1000  }
0x13a: {  	[sflag:s9] =	ssyncset.done $0x0  }
0x13b: {  	[sflag:s9] =	ssyncadd.s32 $0xFFFFF000  }
0x13c: {  	_ =	swait.ge [sflag:s9], $0x1000  }
0x13d: {  	[sflag:s9] =	ssyncset.done $0x0  }
0x13e: {  	[sflag:s9] =	ssyncadd.s32 $0xFFFFF000  }
0x13f: {  	_ =	swait.ge [sflag:s9], $0x1000  }
0x140: {  	[sflag:s9] =	ssyncset.done $0x0  }
0x141: {  	[sflag:s9] =	ssyncadd.s32 $0xFFFFF000  }
0x142: {  	_ =	swait.ge [sflag:s9], $0x1000  }
0x143: {  	[sflag:s9] =	ssyncset.done $0x0  }
0x144: {  	s18 =	rddreg [dreg:$0x1e];
	[sflag:s9] =	ssyncadd.s32 $0xFFFFF000  }
0x145: {  	[hbm4b:s18+s1] =	stream.linear.scatter [tilespmem:s8], [sflag:$0x6], $0x1000, $0x38;
	[tilespmem:$0x15068] =	vst v63  }
0x146: {  	_ =	swait.ge [sflag:s3], $0x1000  }
0x147: {  	[sflag:s3] =	ssyncset.done $0x0  }
0x148: {  	s18 =	rddreg [dreg:$0x1f];
	[sflag:s3] =	ssyncadd.s32 $0xFFFFF000  }
0x149: {  	[hbm4b:s18+s1] =	stream.linear.scatter [tilespmem:s7], [sflag:$0x6], $0x1000, $0x38;
	[tilespmem:$0x15068] =	vst v63  }
0x14a: {  	_ =	swait.ge [sflag:s3], $0x1000  }
0x14b: {  	s18 =	sld [smem:$0x7F8]  }
0x14c: {  	[sflag:s3] =	ssyncset.done $0x0  }
0x14d: {  	[sflag:s3] =	ssyncadd.s32 $0xFFFFF000  }
0x14e: {  	[hbm4b:s18+s1] =	stream.linear.scatter [tilespmem:s6], [sflag:$0x6], $0x1000, $0x38;
	[tilespmem:$0x15068] =	vst v63  }
0x14f: {  	_ =	swait.ge [sflag:s3], $0x1000  }
0x150: {  	s18 =	sld [smem:$0x7F9]  }
0x151: {  	[sflag:s3] =	ssyncset.done $0x0  }
0x152: {  	[sflag:s3] =	ssyncadd.s32 $0xFFFFF000  }
0x153: {  	[hbm4b:s18+s1] =	stream.linear.scatter [tilespmem:s5], [sflag:$0x6], $0x1000, $0x38;
	[tilespmem:$0x15068] =	vst v63  }
0x154: {  	s31 =	sadd.s32 $0xFFFFFFFF, s31;
	_ =	swait.ge [sflag:s3], $0x1000  }
0x155: {  	p2 =	sne.s32 s31, $0x0;
	s18 =	sld [smem:$0x7FA]  }
.Ltmp2:
0x156: {  	[sflag:s3] =	ssyncset.done $0x0;
	(pc) =	sbr.rel @p2 .LBB2_4-.Ltmp2, $4  }
0x157: {  	[sflag:s3] =	ssyncadd.s32 $0xFFFFF000  }
0x158: {  	[hbm4b:s18+s1] =	stream.linear.scatter [tilespmem:s4], [sflag:$0x6], $0x1000, $0x38;
	[tilespmem:$0x15068] =	vst v63  }
0x159: {  	_ =	swait.ge [sflag:s3], $0x1000  }
0x15a: {  	s0 =	rddreg [dreg:$0x9];
	[sflag:s3] =	ssyncset.done $0x0  }
0x15b: {  	s30 =	simm.s32 $0x2BC0;
	s29 =	rddreg [dreg:$0x8]  }
.LBB2_6:
0x15c: {  	[sflag:s3] =	ssyncadd.s32 @p1 $0xFFFFF000;
	s18 =	simm.s32 @!p0 $0x1C06  }
0x15d: {  	[spmem:s28], [sflag:s18] =	dma.local @!p0 [hbm:s0], $0x7D0  }
0x15e: {  	s0 =	simm.s32 @!p0 $0x6  }
0x15f: {  	_ =	swait.ge @!p0 [sflag:s0], $0x7D0  }
0x160: {  	[sflag:s0] =	ssyncset.done @!p0 $0x0  }
0x161: {  	s28 =	rddreg [dreg:$0xf];
	[sflag:s0] =	ssyncadd.s32 @!p0 $0xFFFFF830  }
0x162: {  	[tilespmem:s1], [sflag:$0x6] =	stream.linear.gather [hbm4b:s28+s1], $0x1900, $0x38;
	[tilespmem:$0x15068] =	vst v63  }
0x163: {  	_ =	swait.ge [sflag:s3], $0x1900  }
0x164: {  	[sflag:s3] =	ssyncset.done $0x0  }
0x165: {  	s31 =	rddreg [dreg:$0x10];
	[sflag:s3] =	ssyncadd.s32 $0xFFFFE700  }
0x166: {  	[tilespmem:s17], [sflag:$0x6] =	stream.linear.gather [hbm4b:s31+s1], $0x1900, $0x38;
	[tilespmem:$0x15068] =	vst v63  }
0x167: {  	_ =	swait.ge [sflag:s3], $0x1900  }
0x168: {  	[sflag:s3] =	ssyncset.done $0x0  }
0x169: {  	[sflag:s3] =	ssyncadd.s32 $0xFFFFE700  }
0x16a: {  	[bflag:$0x0] =	sbarrier.arrive $0xFFFF  }
0x16b: {  	s18 =	rddreg [dreg:$0x11]  }
0x16c: {  	[tilespmem:s26], [sflag:$0x6] =	stream.linear.gather [hbm4b:s18+s1], $0x80, $0x38;
	[tilespmem:$0x15068] =	vst v63  }
0x16d: {  	_ =	swait.ge [sflag:s3], $0x80  }
0x16e: {  	[sflag:s3] =	ssyncset.done $0x0  }
0x16f: {  	s28 =	rddreg [dreg:$0xa];
	[sflag:s3] =	ssyncadd.s32 $0xFFFFFF80  }
0x170: {  	[tilespmem:s8], [sflag:$0x5] =	stream.indirect.gather [hbm4b:s28+s21], $0x20, s26, s21, $0xb8;
	[tilespmem:$0x15068] =	vst v63  }
0x171: {  	s31 =	rddreg [dreg:$0x12]  }
0x172: {  	[tilespmem:s25], [sflag:$0x6] =	stream.linear.gather [hbm4b:s31+s1], $0x80, $0x38;
	[tilespmem:$0x15068] =	vst v63  }
0x173: {  	_ =	swait.ge [sflag:s3], $0x80  }
0x174: {  	[sflag:s3] =	ssyncset.done $0x0  }
0x175: {  	s28 =	rddreg [dreg:$0xb];
	[sflag:s3] =	ssyncadd.s32 $0xFFFFFF80  }
0x176: {  	[tilespmem:s7], [sflag:$0x5] =	stream.indirect.gather [hbm4b:s28+s21], $0x20, s25, s21, $0xb8;
	[tilespmem:$0x15068] =	vst v63  }
0x177: {  	s31 =	rddreg [dreg:$0x13]  }
0x178: {  	[tilespmem:s24], [sflag:$0x6] =	stream.linear.gather [hbm4b:s31+s1], $0x80, $0x38;
	[tilespmem:$0x15068] =	vst v63  }
0x179: {  	_ =	swait.ge [sflag:s3], $0x80  }
0x17a: {  	[sflag:s3] =	ssyncset.done $0x0  }
0x17b: {  	s25 =	rddreg [dreg:$0xc];
	[sflag:s3] =	ssyncadd.s32 $0xFFFFFF80  }
0x17c: {  	[tilespmem:s6], [sflag:$0x5] =	stream.indirect.gather [hbm4b:s25+s21], $0x20, s24, s21, $0xb8;
	[tilespmem:$0x15068] =	vst v63  }
0x17d: {  	s26 =	rddreg [dreg:$0x14]  }
0x17e: {  	[tilespmem:s23], [sflag:$0x6] =	stream.linear.gather [hbm4b:s26+s1], $0x80, $0x38;
	[tilespmem:$0x15068] =	vst v63  }
0x17f: {  	_ =	swait.ge [sflag:s3], $0x80  }
0x180: {  	[sflag:s3] =	ssyncset.done $0x0  }
0x181: {  	s28 =	rddreg [dreg:$0xd];
	[sflag:s3] =	ssyncadd.s32 $0xFFFFFF80  }
0x182: {  	[tilespmem:s5], [sflag:$0x5] =	stream.indirect.gather [hbm4b:s28+s21], $0x20, s23, s21, $0xb8;
	[tilespmem:$0x15068] =	vst v63  }
0x183: {  	s31 =	rddreg [dreg:$0x15]  }
0x184: {  	[tilespmem:s22], [sflag:$0x6] =	stream.linear.gather [hbm4b:s31+s1], $0x80, $0x38;
	[tilespmem:$0x15068] =	vst v63  }
0x185: {  	_ =	swait.ge [sflag:s3], $0x80  }
0x186: {  	[sflag:s3] =	ssyncset.done $0x0  }
0x187: {  	s23 =	rddreg [dreg:$0xe];
	[sflag:s3] =	ssyncadd.s32 $0xFFFFFF80  }
0x188: {  	[tilespmem:s4], [sflag:$0x5] =	stream.indirect.gather [hbm4b:s23+s21], $0x20, s22, s21, $0xb8;
	[tilespmem:$0x15068] =	vst v63  }
0x189: {  	_ = 	snop  }
0x18a: {  	[tilespmem:s13], [sflag:$0x1] =	stream.indirect.gather [hbm4b:s19+s16], $0x10, s1, s16, $0xb8;
	[tilespmem:$0x15068] =	vst v63  }
0x18b: {  	_ = 	snop  }
0x18c: {  	[tilespmem:s11], [sflag:$0x2] =	stream.indirect.gather [hbm4b:s19+s16], $0x10, s16, s16, $0xb8;
	[tilespmem:$0x15068] =	vst v63  }
0x18d: {  	_ =	swait.ge [sflag:s15], $0x6400  }
0x18e: {  	[sflag:s15] =	ssyncset.done $0x0  }
0x18f: {  	s24 =	rddreg [dreg:$0x16];
	[sflag:s15] =	ssyncadd.s32 $0xFFFF9C00  }
0x190: {  	[hbm4b:s24+s1] =	stream.linear.scatter [tilespmem:s13], [sflag:$0x3], $0x6400, $0x38;
	[tilespmem:$0x15068] =	vst v63  }
0x191: {  	_ =	swait.ge [sflag:s10], $0x6400  }
0x192: {  	s25 =	sld [smem:$0x7FB]  }
0x193: {  	[sflag:s10] =	ssyncset.done $0x0  }
0x194: {  	[sflag:s10] =	ssyncadd.s32 $0xFFFF9C00  }
0x195: {  	[tilespmem:s13], [sflag:$0x1] =	stream.indirect.gather [hbm4b:s19+s16], $0x10, s25, s16, $0xb8;
	[tilespmem:$0x15068] =	vst v63  }
0x196: {  	_ =	swait.ge [sflag:s14], $0x6400  }
0x197: {  	[sflag:s14] =	ssyncset.done $0x0  }
0x198: {  	s26 =	rddreg [dreg:$0x17];
	[sflag:s14] =	ssyncadd.s32 $0xFFFF9C00  }
0x199: {  	[hbm4b:s26+s1] =	stream.linear.scatter [tilespmem:s11], [sflag:$0x4], $0x6400, $0x38;
	[tilespmem:$0x15068] =	vst v63  }
0x19a: {  	_ =	swait.ge [sflag:s12], $0x6400  }
0x19b: {  	s28 =	sld [smem:$0x7FC]  }
0x19c: {  	[sflag:s12] =	ssyncset.done $0x0  }
0x19d: {  	[sflag:s12] =	ssyncadd.s32 $0xFFFF9C00  }
0x19e: {  	[tilespmem:s11], [sflag:$0x2] =	stream.indirect.gather [hbm4b:s19+s16], $0x10, s28, s16, $0xb8;
	[tilespmem:$0x15068] =	vst v63  }
0x19f: {  	_ =	swait.ge [sflag:s15], $0x6400  }
0x1a0: {  	[sflag:s15] =	ssyncset.done $0x0  }
0x1a1: {  	s31 =	rddreg [dreg:$0x18];
	[sflag:s15] =	ssyncadd.s32 $0xFFFF9C00  }
0x1a2: {  	[hbm4b:s31+s1] =	stream.linear.scatter [tilespmem:s13], [sflag:$0x3], $0x6400, $0x38;
	[tilespmem:$0x15068] =	vst v63  }
0x1a3: {  	_ =	swait.ge [sflag:s10], $0x6400  }
0x1a4: {  	[sflag:s10] =	ssyncset.done $0x0  }
0x1a5: {  	[sflag:s10] =	ssyncadd.s32 $0xFFFF9C00  }
0x1a6: {  	[tilespmem:s13], [sflag:$0x1] =	stream.indirect.gather [spmem:s2], $0x10, s17, s16, $0xb8;
	[tilespmem:$0x15068] =	vst v63  }
0x1a7: {  	_ =	swait.ge [sflag:s14], $0x6400  }
0x1a8: {  	[sflag:s14] =	ssyncset.done $0x0  }
0x1a9: {  	s18 =	rddreg [dreg:$0x19];
	[sflag:s14] =	ssyncadd.s32 $0xFFFF9C00  }
0x1aa: {  	[hbm4b:s18+s1] =	stream.linear.scatter [tilespmem:s11], [sflag:$0x4], $0x6400, $0x38;
	[tilespmem:$0x15068] =	vst v63  }
0x1ab: {  	_ =	swait.ge [sflag:s12], $0x6400  }
0x1ac: {  	s19 =	sld [smem:$0x7FD]  }
0x1ad: {  	[sflag:s12] =	ssyncset.done $0x0  }
0x1ae: {  	[sflag:s12] =	ssyncadd.s32 $0xFFFF9C00  }
0x1af: {  	[tilespmem:s11], [sflag:$0x2] =	stream.indirect.gather [spmem:s2], $0x10, s19, s16, $0xb8;
	[tilespmem:$0x15068] =	vst v63  }
0x1b0: {  	_ =	swait.ge [sflag:s15], $0x6400  }
0x1b1: {  	[sflag:s15] =	ssyncset.done $0x0  }
0x1b2: {  	s21 =	rddreg [dreg:$0x1a];
	[sflag:s15] =	ssyncadd.s32 $0xFFFF9C00  }
0x1b3: {  	[hbm4b:s21+s1] =	stream.linear.scatter [tilespmem:s13], [sflag:$0x3], $0x6400, $0x38;
	[tilespmem:$0x15068] =	vst v63  }
0x1b4: {  	_ =	swait.ge [sflag:s10], $0x6400  }
0x1b5: {  	[sflag:s10] =	ssyncset.done $0x0  }
0x1b6: {  	[sflag:s10] =	ssyncadd.s32 $0xFFFF9C00  }
0x1b7: {  	[tilespmem:s13], [sflag:$0x1] =	stream.indirect.gather [spmem:s2], $0x10, s20, s16, $0xb8;
	[tilespmem:$0x15068] =	vst v63  }
0x1b8: {  	_ =	swait.ge [sflag:s14], $0x6400  }
0x1b9: {  	[sflag:s14] =	ssyncset.done $0x0  }
0x1ba: {  	s22 =	rddreg [dreg:$0x1b];
	[sflag:s14] =	ssyncadd.s32 $0xFFFF9C00  }
0x1bb: {  	[hbm4b:s22+s1] =	stream.linear.scatter [tilespmem:s11], [sflag:$0x4], $0x6400, $0x38;
	[tilespmem:$0x15068] =	vst v63  }
0x1bc: {  	_ =	swait.ge [sflag:s12], $0x6400  }
0x1bd: {  	[sflag:s12] =	ssyncset.done $0x0  }
0x1be: {  	[sflag:s12] =	ssyncadd.s32 $0xFFFF9C00  }
0x1bf: {  	[tilespmem:s11], [sflag:$0x2] =	stream.indirect.gather [spmem:s2], $0x10, s30, s16, $0xb8;
	[tilespmem:$0x15068] =	vst v63  }
0x1c0: {  	_ =	swait.ge [sflag:s15], $0x6400  }
0x1c1: {  	[sflag:s15] =	ssyncset.done $0x0  }
0x1c2: {  	s23 =	rddreg [dreg:$0x1c];
	[sflag:s15] =	ssyncadd.s32 $0xFFFF9C00  }
0x1c3: {  	[hbm4b:s23+s1] =	stream.linear.scatter [tilespmem:s13], [sflag:$0x3], $0x6400, $0x38;
	[tilespmem:$0x15068] =	vst v63  }
0x1c4: {  	_ =	swait.ge [sflag:s14], $0x6400  }
0x1c5: {  	[sflag:s14] =	ssyncset.done $0x0  }
0x1c6: {  	s24 =	rddreg [dreg:$0x1d];
	[sflag:s14] =	ssyncadd.s32 $0xFFFF9C00  }
0x1c7: {  	[hbm4b:s24+s1] =	stream.linear.scatter [tilespmem:s11], [sflag:$0x4], $0x6400, $0x38;
	[tilespmem:$0x15068] =	vst v63  }
0x1c8: {  	_ =	swait.ge [sflag:s10], $0x6400  }
0x1c9: {  	[sflag:s10] =	ssyncset.done $0x0  }
0x1ca: {  	[sflag:s10] =	ssyncadd.s32 $0xFFFF9C00  }
0x1cb: {  	_ =	swait.ge [sflag:s12], $0x6400  }
0x1cc: {  	[sflag:s12] =	ssyncset.done $0x0  }
0x1cd: {  	[sflag:s12] =	ssyncadd.s32 $0xFFFF9C00  }
0x1ce: {  	_ =	swait.ge [sflag:s9], $0x1000  }
0x1cf: {  	[sflag:s9] =	ssyncset.done $0x0  }
0x1d0: {  	[sflag:s9] =	ssyncadd.s32 $0xFFFFF000  }
0x1d1: {  	_ =	swait.ge [sflag:s9], $0x1000  }
0x1d2: {  	[sflag:s9] =	ssyncset.done $0x0  }
0x1d3: {  	[sflag:s9] =	ssyncadd.s32 $0xFFFFF000  }
0x1d4: {  	_ =	swait.ge [sflag:s9], $0x1000  }
0x1d5: {  	[sflag:s9] =	ssyncset.done $0x0  }
0x1d6: {  	[sflag:s9] =	ssyncadd.s32 $0xFFFFF000  }
0x1d7: {  	_ =	swait.ge [sflag:s9], $0x1000  }
0x1d8: {  	[sflag:s9] =	ssyncset.done $0x0  }
0x1d9: {  	[sflag:s9] =	ssyncadd.s32 $0xFFFFF000  }
0x1da: {  	_ =	swait.ge [sflag:s9], $0x1000  }
0x1db: {  	[sflag:s9] =	ssyncset.done $0x0  }
0x1dc: {  	s25 =	rddreg [dreg:$0x1e];
	[sflag:s9] =	ssyncadd.s32 $0xFFFFF000  }
0x1dd: {  	[hbm4b:s25+s1] =	stream.linear.scatter [tilespmem:s8], [sflag:$0x6], $0x1000, $0x38;
	[tilespmem:$0x15068] =	vst v63  }
0x1de: {  	_ =	swait.ge [sflag:s3], $0x1000  }
0x1df: {  	[sflag:s3] =	ssyncset.done $0x0  }
0x1e0: {  	s26 =	rddreg [dreg:$0x1f];
	[sflag:s3] =	ssyncadd.s32 $0xFFFFF000  }
0x1e1: {  	[hbm4b:s26+s1] =	stream.linear.scatter [tilespmem:s7], [sflag:$0x6], $0x1000, $0x38;
	[tilespmem:$0x15068] =	vst v63  }
0x1e2: {  	_ =	swait.ge [sflag:s3], $0x1000  }
0x1e3: {  	s28 =	sld [smem:$0x7F8]  }
0x1e4: {  	[sflag:s3] =	ssyncset.done $0x0  }
0x1e5: {  	[sflag:s3] =	ssyncadd.s32 $0xFFFFF000  }
0x1e6: {  	[hbm4b:s28+s1] =	stream.linear.scatter [tilespmem:s6], [sflag:$0x6], $0x1000, $0x38;
	[tilespmem:$0x15068] =	vst v63  }
0x1e7: {  	_ =	swait.ge [sflag:s3], $0x1000  }
0x1e8: {  	s30 =	sld [smem:$0x7F9]  }
0x1e9: {  	[sflag:s3] =	ssyncset.done $0x0  }
0x1ea: {  	[sflag:s3] =	ssyncadd.s32 $0xFFFFF000  }
0x1eb: {  	[hbm4b:s30+s1] =	stream.linear.scatter [tilespmem:s5], [sflag:$0x6], $0x1000, $0x38;
	[tilespmem:$0x15068] =	vst v63  }
0x1ec: {  	_ =	swait.ge [sflag:s3], $0x1000  }
0x1ed: {  	s31 =	sld [smem:$0x7FA]  }
0x1ee: {  	[sflag:s3] =	ssyncset.done $0x0  }
0x1ef: {  	[sflag:s3] =	ssyncadd.s32 $0xFFFFF000  }
0x1f0: {  	[hbm4b:s31+s1] =	stream.linear.scatter [tilespmem:s4], [sflag:$0x6], $0x1000, $0x38;
	[tilespmem:$0x15068] =	vst v63  }
0x1f1: {  	_ =	swait.ge [sflag:s3], $0x1000  }
0x1f2: {  	[sflag:s3] =	ssyncset.done $0x0  }
0x1f3: {  	[sflag:s3] =	ssyncadd.s32 $0xFFFFF000  }
0x1f4: {  	_ =	sfence.sel $0x180000  }
0x1f5: {  	[bflag:$0x0] =	sbarrier.arrive $0xFFFF  }
0x1f6: {  	_ =	strace $0x90000047  }
0x1f7: {  	s0 =	sadd.s32 @!p0 $0x100000, s29;
	[bflag:$0x2] =	sbarrier.arrive $0xFFFF  }
0x1f8: {  	[sflag:s0] =	ssyncadd.tile.s32 @!p0 $0x1;
	_ =	shalt  }
.LBB2_1:
.Ltmp3:
0x1f9: {  	(pc) =	sbr.rel .LBB2_6-.Ltmp3, $2  }
0x1fa: {  	_ =	sdelay $0x2  }
0x1fb: {  	s30 =	simm.s32 $0x2BC0  }
.LBB2_3:
.Ltmp4:
0x1fc: {  	(pc) =	sbr.rel .LBB2_6-.Ltmp4, $2  }
0x1fd: {  	_ =	sdelay $0x2  }
0x1fe: {  	s30 =	simm.s32 $0x2BC0;
	s29 =	rddreg [dreg:$0x8]  }
.Lfunc_end2:
_tile_overlayer_lowered:
.L_overlay_start_2:
0x1ff: {  	(tag) =	ssettag $0x2  }
0x200: {  	s0 =	rddreg [dreg:$0x0];
	s2 =	stileid.u32  }
0x201: {  	s1 =	rddreg [dreg:$0x1];
	p0 =	sne.s32 s2, $0x0  }
0x202: {  	s3 =	rddreg [dreg:$0x2];
	[bflag:$0x3] =	sbarrier.arrive $0xFFFF;
	s2 =	simm.s32 @!p0 $0x1C06  }
0x203: {  	[timem:s3], [sflag:s2] =	dma.local @!p0 [hbm:s0], s1  }
0x204: {  	s0 =	simm.s32 @!p0 $0x6  }
0x205: {  	_ =	swait.ge @!p0 [sflag:s0], s1  }
0x206: {  	s1 =	ssub.s32 @!p0 $0x0, s1;
	[sflag:s0] =	ssyncset.done @!p0 $0x0  }
0x207: {  	[sflag:s0] =	ssyncadd.s32 @!p0 s1  }
0x208: {  	[bflag:$0x3] =	sbarrier.arrive $0xFFFF  }
0x209: {  	_ =	shalt  }

</sc_bundles>
